<compile_context>
chip_gen: v7x
topology: tpu7x:2x2x1
jax: 0.10.2.dev20260603
libtpu: 0.0.44.dev20260713+nightly
codegen_flags: <defaults>
</compile_context>

<pallas_src>
import functools

import jax
import jax.numpy as jnp
from jax import lax
from jax.experimental import pallas as pl
from jax.experimental.pallas import tpu as pltpu
from jax.experimental.pallas import tpu_sc as plsc

_KC = 1024
_D = 128
_TOK = 2 * 16 * 2048
_T = 8192
_NT = _TOK // _T
_NW = 32
_TPW = _TOK // _NW
_RPW = _TPW // 128


def _dist_body(z_ref, cb2_ref, c2_ref, z2_ref, idx_ref, loss_ref):
    z = z_ref[...]
    cb2 = cb2_ref[...]
    logits2 = lax.dot_general(cb2, z, (((1,), (1,)), ((), ())),
                              preferred_element_type=jnp.float32)
    z2 = z2_ref[0]
    c2 = c2_ref[...]
    dist = z2 + c2 + logits2
    m = jnp.min(dist, axis=0, keepdims=True)
    iota = lax.broadcasted_iota(jnp.int32, (_KC, _T), 0)
    idx_ref[0] = jnp.min(jnp.where(dist <= m, iota, _KC),
                         axis=0, keepdims=True)
    loss_ref[0, 0, 0] = jnp.sum(m)


def _nearest(z_flat, cb2, c2, z2):
    idx, loss = pl.pallas_call(
        _dist_body,
        grid=(_NT,),
        in_specs=[
            pl.BlockSpec((_T, _D), lambda t: (t, 0)),
            pl.BlockSpec((_KC, _D), lambda t: (0, 0)),
            pl.BlockSpec((_KC, 1), lambda t: (0, 0)),
            pl.BlockSpec((1, 1, _T), lambda t: (t, 0, 0)),
        ],
        out_specs=[
            pl.BlockSpec((1, 1, _T), lambda t: (t, 0, 0)),
            pl.BlockSpec((1, 1, 1), lambda t: (t, 0, 0),
                         memory_space=pltpu.SMEM),
        ],
        out_shape=[
            jax.ShapeDtypeStruct((_NT, 1, _T), jnp.int32),
            jax.ShapeDtypeStruct((_NT, 1, 1), jnp.float32),
        ],
    )(z_flat, cb2, c2, z2)
    return idx.reshape(_TOK // 128, 128), loss


def _gather_count_body(cb_ref, idx_ref, zq_ref, cnt_ref,
                       idx_v, rows0_v, rows1_v, rows2_v, rows3_v, cnt_v,
                       sem0, sem1, sem2, sem3):
    c = lax.axis_index("c")
    s = lax.axis_index("s")
    wid = s * 2 + c
    base = wid * _TPW
    pltpu.sync_copy(idx_ref.at[pl.ds(wid * _RPW, _RPW)], idx_v)

    def _zero(i, carry):
        cnt_v[pl.ds(i * 16, 16)] = jnp.zeros((16,), jnp.float32)
        return carry

    lax.fori_loop(0, _KC // 16, _zero, 0)

    ones = jnp.ones((16,), jnp.float32)
    rows = (rows0_v, rows1_v, rows2_v, rows3_v)
    sems = (sem0, sem1, sem2, sem3)

    def _count_row(j):
        def _cnt(k, inner):
            iv = idx_v[j, pl.ds(k * 16, 16)]
            plsc.addupdate_scatter(cnt_v, [iv], ones)
            return inner

        lax.fori_loop(0, 8, _cnt, 0)

    def _row_quad(g, carry):
        j = 4 * g
        cps = [
            pltpu.async_copy(cb_ref.at[idx_v.at[j + b]], rows[b], sems[b])
            for b in range(4)
        ]
        for b in range(4):
            _count_row(j + b)
        for b in range(4):
            cps[b].wait()
            pltpu.sync_copy(rows[b],
                            zq_ref.at[pl.ds(base + (j + b) * 128, 128)])
        return carry

    lax.fori_loop(0, _RPW // 4, _row_quad, 0)
    pltpu.sync_copy(cnt_v, cnt_ref.at[wid])


@functools.cache
def _gather_count():
    mesh = plsc.VectorSubcoreMesh(core_axis_name="c", subcore_axis_name="s")
    return pl.kernel(
        _gather_count_body,
        mesh=mesh,
        out_type=[
            jax.ShapeDtypeStruct((_TOK, _D), jnp.float32),
            jax.ShapeDtypeStruct((_NW, _KC), jnp.float32),
        ],
        scratch_types=[
            pltpu.VMEM((_RPW, 128), jnp.int32),
            pltpu.VMEM((128, _D), jnp.float32),
            pltpu.VMEM((128, _D), jnp.float32),
            pltpu.VMEM((128, _D), jnp.float32),
            pltpu.VMEM((128, _D), jnp.float32),
            pltpu.VMEM((_KC,), jnp.float32),
            pltpu.SemaphoreType.DMA,
            pltpu.SemaphoreType.DMA,
            pltpu.SemaphoreType.DMA,
            pltpu.SemaphoreType.DMA,
        ],
        compiler_params=pltpu.CompilerParams(needs_layout_passes=False),
    )


def kernel(K, V, cb_k, cb_v, step):
    zk = K.reshape(_TOK, _D)
    zv = V.reshape(_TOK, _D)
    c2_k = jnp.sum(cb_k ** 2, axis=1)[:, None]
    c2_v = jnp.sum(cb_v ** 2, axis=1)[:, None]
    z2_k = jnp.sum(zk ** 2, axis=1).reshape(_NT, 1, _T)
    z2_v = jnp.sum(zv ** 2, axis=1).reshape(_NT, 1, _T)
    idx_k, loss_k = _nearest(zk, cb_k * -2.0, c2_k, z2_k)
    zq_k, cnt_k = _gather_count()(cb_k, idx_k)
    idx_vv, loss_v = _nearest(zv, cb_v * -2.0, c2_v, z2_v)
    zq_v, cnt_v = _gather_count()(cb_v, idx_vv)
    K_mix = zq_k.reshape(K.shape)
    V_mix = zq_v.reshape(V.shape)
    denom = float(_TOK * _D)
    lk = jnp.sum(loss_k) / denom
    lv = jnp.sum(loss_v) / denom
    usage_k = jnp.sum(cnt_k, axis=0) / float(_TOK)
    usage_v = jnp.sum(cnt_v, axis=0) / float(_TOK)
    return (K_mix, V_mix, 0.25 * lk, 0.25 * lv, 0.25 * lk, 0.25 * lv,
            usage_k, usage_v)

# --- scband reference (transcript-rebuilt; emitter-appended) ---
"""Pipeline reference for scband-head-vq-78417512890962 (READ-ONLY COPY).

The authoritative reference and input builder live on the scoring server;
editing this copy changes nothing except your own understanding.
"""

import jax, jax.numpy as jnp
import numpy as np

K_CODES = 1024
D_H = 128
BETA_K = 0.25
BETA_V = 0.25
GAMMA_K = 0.25
GAMMA_V = 0.25
TAU0 = 10000.0
SCHED_K = 2000.0


def inverse_sigmoid_alpha(step, tau0, k):
    step_f = jnp.asarray(step, dtype=jnp.float32)
    return 1.0 / (1.0 + jnp.exp((tau0 - step_f) / k))


def quantise(z, cb, k):
    z_flat = z.reshape(-1, z.shape[-1])
    z2 = jnp.sum(z_flat ** 2, axis=1, keepdims=True)
    c2 = jnp.sum(cb ** 2, axis=1)
    logits = z_flat @ cb.T
    dist = z2 + c2[None, :] - 2.0 * logits
    indices = jnp.argmin(dist, axis=1)
    z_q = jnp.take(cb, indices, axis=0).reshape(z.shape)
    z_q_st = z + jax.lax.stop_gradient(z_q - z)
    loss_commit = jnp.mean((jax.lax.stop_gradient(z_q) - z) ** 2)
    loss_embed = jnp.mean((z_q - jax.lax.stop_gradient(z)) ** 2)
    usage = jnp.bincount(indices, length=k).astype(z.dtype)
    s = usage.sum()
    usage = jnp.where(s > 0, usage / s, usage)
    return z_q_st, indices, loss_commit, loss_embed, usage


def setup_inputs(seed: int = 0) -> dict:
    key = jax.random.key(seed)
    k1, k2, k3, k4 = jax.random.split(key, 4)
    K = jax.random.normal(k1, (2, 16, 2048, 128), dtype=jnp.float32)
    V = jax.random.normal(k2, (2, 16, 2048, 128), dtype=jnp.float32)
    cb_k = jax.random.normal(k3, (K_CODES, D_H), dtype=jnp.float32) * 0.02
    cb_v = jax.random.normal(k4, (K_CODES, D_H), dtype=jnp.float32) * 0.02
    return {"K": K, "V": V, "cb_k": cb_k, "cb_v": cb_v, "step": 20000}


def reference(K, V, cb_k, cb_v, step):
    K_q, idx_k, commit_k, embed_k, usage_k = quantise(K, cb_k, K_CODES)
    V_q, idx_v, commit_v, embed_v, usage_v = quantise(V, cb_v, K_CODES)
    alpha = inverse_sigmoid_alpha(step, TAU0, SCHED_K)
    # eval mode: gates = ones_like(K[..., :1])
    gates = jnp.ones_like(K[..., :1])
    K_mix = (1.0 - gates) * K + gates * K_q
    V_mix = (1.0 - gates) * V + gates * V_q
    return (K_mix, V_mix,
            BETA_K * commit_k, BETA_V * commit_v,
            GAMMA_K * embed_k, GAMMA_V * embed_v,
            usage_k, usage_v)

if __name__ == "__main__":
    import jax
    _d = setup_inputs()
    print(jax.jit(kernel)(*tuple(_d.values())))

</pallas_src>

<mosaic_0001>
#map = affine_map<(d0, d1) -> (0, 0)>
module attributes {stable_mosaic.version = 14 : i64} {
  func.func @_gather_count_body(%arg0: i32, %arg1: i32, %arg2: memref<1024x128xf32, #tpu.memory_space<hbm>>, %arg3: memref<512x128xi32, #tpu.memory_space<hbm>>, %arg4: memref<65536x128xf32, #tpu.memory_space<hbm>>, %arg5: memref<32x1024xf32, #tpu.memory_space<hbm>>, %arg6: memref<16x128xi32, #tpu.memory_space<vmem>>, %arg7: memref<128x128xf32, #tpu.memory_space<vmem>>, %arg8: memref<128x128xf32, #tpu.memory_space<vmem>>, %arg9: memref<128x128xf32, #tpu.memory_space<vmem>>, %arg10: memref<128x128xf32, #tpu.memory_space<vmem>>, %arg11: memref<1024xf32, #tpu.memory_space<vmem>>, %arg12: memref<!tpu.dma_semaphore, #tpu.memory_space<semaphore_mem>>, %arg13: memref<!tpu.dma_semaphore, #tpu.memory_space<semaphore_mem>>, %arg14: memref<!tpu.dma_semaphore, #tpu.memory_space<semaphore_mem>>, %arg15: memref<!tpu.dma_semaphore, #tpu.memory_space<semaphore_mem>>) attributes {dimension_semantics = [#tpu.dimension_semantics<core_parallel>, #tpu.dimension_semantics<subcore_parallel>], iteration_bounds = array<i64: 2, 16>, scalar_prefetch = 0 : i64, scratch_operands = 10 : i64, tpu.core_type = #tpu.core_type<sc_vector_subcore>, window_params = [{transform_indices = #map}, {transform_indices = #map}, {transform_indices = #map}, {transform_indices = #map}]} {
    %mul3A = arith.constant 2 : i32
    %mul3A_0 = arith.muli %arg1, %mul3A : i32
    %add3A = arith.addi %mul3A_0, %arg0 : i32
    %mul3A_1 = arith.constant 2048 : i32
    %mul3A_2 = arith.muli %add3A, %mul3A_1 : i32
    %mul3A_3 = arith.constant 16 : i32
    %mul3A_4 = arith.muli %add3A, %mul3A_3 : i32
    "tpu.region"() ({
      %run_scoped3A = tpu.sem_alloc : memref<!tpu.dma_semaphore, #tpu.memory_space<semaphore_mem>>
      %dma_start3A = arith.constant 0 : i32
      %dma_start3A_17 = tpu.memref_slice %arg3[%mul3A_4, %dma_start3A] : memref<512x128xi32, #tpu.memory_space<hbm>> -> memref<16x128xi32, #tpu.memory_space<hbm>>
      %dma_start3A_18 = arith.constant 0 : i32
      %dma_start3A_19 = tpu.memref_slice %arg3[%mul3A_4, %dma_start3A_18] : memref<512x128xi32, #tpu.memory_space<hbm>> -> memref<16x128xi32, #tpu.memory_space<hbm>>
      tpu.enqueue_dma source(%dma_start3A_19 : memref<16x128xi32, #tpu.memory_space<hbm>>) target(%arg6 : memref<16x128xi32, #tpu.memory_space<vmem>>) target_semaphore(%run_scoped3A : memref<!tpu.dma_semaphore, #tpu.memory_space<semaphore_mem>>)
      %dma_wait3A = arith.constant 0 : i32
      %dma_wait3A_20 = tpu.memref_slice %arg3[%mul3A_4, %dma_wait3A] : memref<512x128xi32, #tpu.memory_space<hbm>> -> memref<16x128xi32, #tpu.memory_space<hbm>>
      %dma_wait3A_21 = arith.constant 0 : i32
      %dma_wait3A_22 = tpu.memref_slice %arg3[%mul3A_4, %dma_wait3A_21] : memref<512x128xi32, #tpu.memory_space<hbm>> -> memref<16x128xi32, #tpu.memory_space<hbm>>
      tpu.wait_dma2 semaphore(%run_scoped3A : memref<!tpu.dma_semaphore, #tpu.memory_space<semaphore_mem>>) src(%dma_wait3A_22 : memref<16x128xi32, #tpu.memory_space<hbm>>) dst(%arg6 : memref<16x128xi32, #tpu.memory_space<vmem>>)
      tpu.yield
    }) : () -> ()
    %scan3A = arith.constant 0 : i32
    %scan3A_5 = arith.constant 0 : i32
    %scan3A_6 = arith.constant 64 : i32
    %scan3A_7 = arith.addi %scan3A_5, %scan3A_6 : i32
    %scan3A_8 = arith.constant 1 : i32
    scf.for %scan3A_17 = %scan3A_5 to %scan3A_7 step %scan3A_8  : i32 {
      %broadcast_in_dim3A_18 = arith.constant 0.000000e+00 : f32
      %broadcast_in_dim3A_19 = vector.broadcast %broadcast_in_dim3A_18 : f32 to vector<16xf32>
      %mul3A_20 = arith.constant 16 : i32
      %mul3A_21 = arith.muli %scan3A_17, %mul3A_20 : i32
      %swap3A = arith.index_cast %mul3A_21 : i32 to index
      %swap3A_22 = tpu.vector_load %arg11[%swap3A] {strides = array<i32>} : memref<1024xf32, #tpu.memory_space<vmem>>, vector<16xf32>,
      tpu.vector_store %arg11[%swap3A], %broadcast_in_dim3A_19 {strides = array<i32>} : memref<1024xf32, #tpu.memory_space<vmem>>, vector<16xf32>,
    }
    %scan3A_9 = arith.constant 64 : i32
    %broadcast_in_dim3A = arith.constant 1.000000e+00 : f32
    %broadcast_in_dim3A_10 = vector.broadcast %broadcast_in_dim3A : f32 to vector<16xf32>
    %scan3A_11 = arith.constant 0 : i32
    %scan3A_12 = arith.constant 0 : i32
    %scan3A_13 = arith.constant 4 : i32
    %scan3A_14 = arith.addi %scan3A_12, %scan3A_13 : i32
    %scan3A_15 = arith.constant 1 : i32
    scf.for %scan3A_17 = %scan3A_12 to %scan3A_14 step %scan3A_15  : i32 {
      %mul3A_18 = arith.constant 4 : i32
      %mul3A_19 = arith.muli %mul3A_18, %scan3A_17 : i32
      %add3A_20 = arith.constant 0 : i32
      %add3A_21 = arith.addi %mul3A_19, %add3A_20 : i32
      %dma_start3A = arith.constant 0 : i32
      %dma_start3A_22 = tpu.memref_slice %arg6[%add3A_21, %dma_start3A] : memref<16x128xi32, #tpu.memory_space<vmem>> -> memref<1x128xi32, #tpu.memory_space<vmem>>
      %dma_start3A_23 = tpu.memref_squeeze %dma_start3A_22 : memref<1x128xi32, #tpu.memory_space<vmem>> -> memref<128xi32, #tpu.memory_space<vmem>>
      %dma_start3A_24 = arith.constant 0 : i32
      %dma_start3A_25 = arith.constant 0 : i32
      %dma_start3A_26 = tpu.memref_slice %arg2[%dma_start3A_24, %dma_start3A_25] : memref<1024x128xf32, #tpu.memory_space<hbm>> -> memref<1024x128xf32, #tpu.memory_space<hbm>>
      tpu.enqueue_indirect_dma source(%dma_start3A_26 : memref<1024x128xf32, #tpu.memory_space<hbm>>) target(%arg7 : memref<128x128xf32, #tpu.memory_space<vmem>>) offsets(%dma_start3A_23 : memref<128xi32, #tpu.memory_space<vmem>>) semaphore(%arg12 : memref<!tpu.dma_semaphore, #tpu.memory_space<semaphore_mem>>)
      %add3A_27 = arith.constant 1 : i32
      %add3A_28 = arith.addi %mul3A_19, %add3A_27 : i32
      %dma_start3A_29 = arith.constant 0 : i32
      %dma_start3A_30 = tpu.memref_slice %arg6[%add3A_28, %dma_start3A_29] : memref<16x128xi32, #tpu.memory_space<vmem>> -> memref<1x128xi32, #tpu.memory_space<vmem>>
      %dma_start3A_31 = tpu.memref_squeeze %dma_start3A_30 : memref<1x128xi32, #tpu.memory_space<vmem>> -> memref<128xi32, #tpu.memory_space<vmem>>
      %dma_start3A_32 = arith.constant 0 : i32
      %dma_start3A_33 = arith.constant 0 : i32
      %dma_start3A_34 = tpu.memref_slice %arg2[%dma_start3A_32, %dma_start3A_33] : memref<1024x128xf32, #tpu.memory_space<hbm>> -> memref<1024x128xf32, #tpu.memory_space<hbm>>
      tpu.enqueue_indirect_dma source(%dma_start3A_34 : memref<1024x128xf32, #tpu.memory_space<hbm>>) target(%arg8 : memref<128x128xf32, #tpu.memory_space<vmem>>) offsets(%dma_start3A_31 : memref<128xi32, #tpu.memory_space<vmem>>) semaphore(%arg13 : memref<!tpu.dma_semaphore, #tpu.memory_space<semaphore_mem>>)
      %add3A_35 = arith.constant 2 : i32
      %add3A_36 = arith.addi %mul3A_19, %add3A_35 : i32
      %dma_start3A_37 = arith.constant 0 : i32
      %dma_start3A_38 = tpu.memref_slice %arg6[%add3A_36, %dma_start3A_37] : memref<16x128xi32, #tpu.memory_space<vmem>> -> memref<1x128xi32, #tpu.memory_space<vmem>>
      %dma_start3A_39 = tpu.memref_squeeze %dma_start3A_38 : memref<1x128xi32, #tpu.memory_space<vmem>> -> memref<128xi32, #tpu.memory_space<vmem>>
      %dma_start3A_40 = arith.constant 0 : i32
      %dma_start3A_41 = arith.constant 0 : i32
      %dma_start3A_42 = tpu.memref_slice %arg2[%dma_start3A_40, %dma_start3A_41] : memref<1024x128xf32, #tpu.memory_space<hbm>> -> memref<1024x128xf32, #tpu.memory_space<hbm>>
      tpu.enqueue_indirect_dma source(%dma_start3A_42 : memref<1024x128xf32, #tpu.memory_space<hbm>>) target(%arg9 : memref<128x128xf32, #tpu.memory_space<vmem>>) offsets(%dma_start3A_39 : memref<128xi32, #tpu.memory_space<vmem>>) semaphore(%arg14 : memref<!tpu.dma_semaphore, #tpu.memory_space<semaphore_mem>>)
      %add3A_43 = arith.constant 3 : i32
      %add3A_44 = arith.addi %mul3A_19, %add3A_43 : i32
      %dma_start3A_45 = arith.constant 0 : i32
      %dma_start3A_46 = tpu.memref_slice %arg6[%add3A_44, %dma_start3A_45] : memref<16x128xi32, #tpu.memory_space<vmem>> -> memref<1x128xi32, #tpu.memory_space<vmem>>
      %dma_start3A_47 = tpu.memref_squeeze %dma_start3A_46 : memref<1x128xi32, #tpu.memory_space<vmem>> -> memref<128xi32, #tpu.memory_space<vmem>>
      %dma_start3A_48 = arith.constant 0 : i32
      %dma_start3A_49 = arith.constant 0 : i32
      %dma_start3A_50 = tpu.memref_slice %arg2[%dma_start3A_48, %dma_start3A_49] : memref<1024x128xf32, #tpu.memory_space<hbm>> -> memref<1024x128xf32, #tpu.memory_space<hbm>>
      tpu.enqueue_indirect_dma source(%dma_start3A_50 : memref<1024x128xf32, #tpu.memory_space<hbm>>) target(%arg10 : memref<128x128xf32, #tpu.memory_space<vmem>>) offsets(%dma_start3A_47 : memref<128xi32, #tpu.memory_space<vmem>>) semaphore(%arg15 : memref<!tpu.dma_semaphore, #tpu.memory_space<semaphore_mem>>)
      %add3A_51 = arith.constant 0 : i32
      %add3A_52 = arith.addi %mul3A_19, %add3A_51 : i32
      %scan3A_53 = arith.constant 0 : i32
      %scan3A_54 = arith.constant 0 : i32
      %scan3A_55 = arith.constant 8 : i32
      %scan3A_56 = arith.addi %scan3A_54, %scan3A_55 : i32
      %scan3A_57 = arith.constant 1 : i32
      scf.for %scan3A_126 = %scan3A_54 to %scan3A_56 step %scan3A_57  : i32 {
        %mul3A_127 = arith.constant 16 : i32
        %mul3A_128 = arith.muli %scan3A_126, %mul3A_127 : i32
        %get3A = arith.index_cast %add3A_52 : i32 to index
        %get3A_129 = arith.index_cast %mul3A_128 : i32 to index
        %get3A_130 = tpu.vector_load %arg6[%get3A, %get3A_129] {strides = array<i32>} : memref<16x128xi32, #tpu.memory_space<vmem>>, vector<16xi32>,
        tpu.vector_store_idx %arg11[%get3A_130], %broadcast_in_dim3A_10 {add = true} : memref<1024xf32, #tpu.memory_space<vmem>>[vector<16xi32>], vector<16xf32>,
      }
      %scan3A_58 = arith.constant 8 : i32
      %add3A_59 = arith.constant 1 : i32
      %add3A_60 = arith.addi %mul3A_19, %add3A_59 : i32
      %scan3A_61 = arith.constant 0 : i32
      %scan3A_62 = arith.constant 0 : i32
      %scan3A_63 = arith.constant 8 : i32
      %scan3A_64 = arith.addi %scan3A_62, %scan3A_63 : i32
      %scan3A_65 = arith.constant 1 : i32
      scf.for %scan3A_126 = %scan3A_62 to %scan3A_64 step %scan3A_65  : i32 {
        %mul3A_127 = arith.constant 16 : i32
        %mul3A_128 = arith.muli %scan3A_126, %mul3A_127 : i32
        %get3A = arith.index_cast %add3A_60 : i32 to index
        %get3A_129 = arith.index_cast %mul3A_128 : i32 to index
        %get3A_130 = tpu.vector_load %arg6[%get3A, %get3A_129] {strides = array<i32>} : memref<16x128xi32, #tpu.memory_space<vmem>>, vector<16xi32>,
        tpu.vector_store_idx %arg11[%get3A_130], %broadcast_in_dim3A_10 {add = true} : memref<1024xf32, #tpu.memory_space<vmem>>[vector<16xi32>], vector<16xf32>,
      }
      %scan3A_66 = arith.constant 8 : i32
      %add3A_67 = arith.constant 2 : i32
      %add3A_68 = arith.addi %mul3A_19, %add3A_67 : i32
      %scan3A_69 = arith.constant 0 : i32
      %scan3A_70 = arith.constant 0 : i32
      %scan3A_71 = arith.constant 8 : i32
      %scan3A_72 = arith.addi %scan3A_70, %scan3A_71 : i32
      %scan3A_73 = arith.constant 1 : i32
      scf.for %scan3A_126 = %scan3A_70 to %scan3A_72 step %scan3A_73  : i32 {
        %mul3A_127 = arith.constant 16 : i32
        %mul3A_128 = arith.muli %scan3A_126, %mul3A_127 : i32
        %get3A = arith.index_cast %add3A_68 : i32 to index
        %get3A_129 = arith.index_cast %mul3A_128 : i32 to index
        %get3A_130 = tpu.vector_load %arg6[%get3A, %get3A_129] {strides = array<i32>} : memref<16x128xi32, #tpu.memory_space<vmem>>, vector<16xi32>,
        tpu.vector_store_idx %arg11[%get3A_130], %broadcast_in_dim3A_10 {add = true} : memref<1024xf32, #tpu.memory_space<vmem>>[vector<16xi32>], vector<16xf32>,
      }
      %scan3A_74 = arith.constant 8 : i32
      %add3A_75 = arith.constant 3 : i32
      %add3A_76 = arith.addi %mul3A_19, %add3A_75 : i32
      %scan3A_77 = arith.constant 0 : i32
      %scan3A_78 = arith.constant 0 : i32
      %scan3A_79 = arith.constant 8 : i32
      %scan3A_80 = arith.addi %scan3A_78, %scan3A_79 : i32
      %scan3A_81 = arith.constant 1 : i32
      scf.for %scan3A_126 = %scan3A_78 to %scan3A_80 step %scan3A_81  : i32 {
        %mul3A_127 = arith.constant 16 : i32
        %mul3A_128 = arith.muli %scan3A_126, %mul3A_127 : i32
        %get3A = arith.index_cast %add3A_76 : i32 to index
        %get3A_129 = arith.index_cast %mul3A_128 : i32 to index
        %get3A_130 = tpu.vector_load %arg6[%get3A, %get3A_129] {strides = array<i32>} : memref<16x128xi32, #tpu.memory_space<vmem>>, vector<16xi32>,
        tpu.vector_store_idx %arg11[%get3A_130], %broadcast_in_dim3A_10 {add = true} : memref<1024xf32, #tpu.memory_space<vmem>>[vector<16xi32>], vector<16xf32>,
      }
      %scan3A_82 = arith.constant 8 : i32
      %dma_wait3A = arith.constant 0 : i32
      %dma_wait3A_83 = tpu.memref_slice %arg6[%add3A_21, %dma_wait3A] : memref<16x128xi32, #tpu.memory_space<vmem>> -> memref<1x128xi32, #tpu.memory_space<vmem>>
      %dma_wait3A_84 = tpu.memref_squeeze %dma_wait3A_83 : memref<1x128xi32, #tpu.memory_space<vmem>> -> memref<128xi32, #tpu.memory_space<vmem>>
      %dma_wait3A_85 = arith.constant 0 : i32
      %dma_wait3A_86 = arith.constant 0 : i32
      %dma_wait3A_87 = tpu.memref_slice %arg2[%dma_wait3A_85, %dma_wait3A_86] : memref<1024x128xf32, #tpu.memory_space<hbm>> -> memref<1024x128xf32, #tpu.memory_space<hbm>>
      tpu.wait_indirect_dma semaphore(%arg12 : memref<!tpu.dma_semaphore, #tpu.memory_space<semaphore_mem>>) src(%dma_wait3A_87 : memref<1024x128xf32, #tpu.memory_space<hbm>>) dst(%arg7 : memref<128x128xf32, #tpu.memory_space<vmem>>)
      %add3A_88 = arith.constant 0 : i32
      %add3A_89 = arith.addi %mul3A_19, %add3A_88 : i32
      %mul3A_90 = arith.constant 128 : i32
      %mul3A_91 = arith.muli %add3A_89, %mul3A_90 : i32
      %add3A_92 = arith.addi %mul3A_2, %mul3A_91 : i32
      "tpu.region"() ({
        %run_scoped3A = tpu.sem_alloc : memref<!tpu.dma_semaphore, #tpu.memory_space<semaphore_mem>>
        %dma_start3A_126 = arith.constant 0 : i32
        %dma_start3A_127 = tpu.memref_slice %arg4[%add3A_92, %dma_start3A_126] : memref<65536x128xf32, #tpu.memory_space<hbm>> -> memref<128x128xf32, #tpu.memory_space<hbm>>
        %dma_start3A_128 = arith.constant 0 : i32
        %dma_start3A_129 = tpu.memref_slice %arg4[%add3A_92, %dma_start3A_128] : memref<65536x128xf32, #tpu.memory_space<hbm>> -> memref<128x128xf32, #tpu.memory_space<hbm>>
        tpu.enqueue_dma source(%arg7 : memref<128x128xf32, #tpu.memory_space<vmem>>) target(%dma_start3A_129 : memref<128x128xf32, #tpu.memory_space<hbm>>) target_semaphore(%run_scoped3A : memref<!tpu.dma_semaphore, #tpu.memory_space<semaphore_mem>>)
        %dma_wait3A_130 = arith.constant 0 : i32
        %dma_wait3A_131 = tpu.memref_slice %arg4[%add3A_92, %dma_wait3A_130] : memref<65536x128xf32, #tpu.memory_space<hbm>> -> memref<128x128xf32, #tpu.memory_space<hbm>>
        %dma_wait3A_132 = arith.constant 0 : i32
        %dma_wait3A_133 = tpu.memref_slice %arg4[%add3A_92, %dma_wait3A_132] : memref<65536x128xf32, #tpu.memory_space<hbm>> -> memref<128x128xf32, #tpu.memory_space<hbm>>
        tpu.wait_dma2 semaphore(%run_scoped3A : memref<!tpu.dma_semaphore, #tpu.memory_space<semaphore_mem>>) src(%arg7 : memref<128x128xf32, #tpu.memory_space<vmem>>) dst(%dma_wait3A_133 : memref<128x128xf32, #tpu.memory_space<hbm>>)
        tpu.yield
      }) : () -> ()
      %dma_wait3A_93 = arith.constant 0 : i32
      %dma_wait3A_94 = tpu.memref_slice %arg6[%add3A_28, %dma_wait3A_93] : memref<16x128xi32, #tpu.memory_space<vmem>> -> memref<1x128xi32, #tpu.memory_space<vmem>>
      %dma_wait3A_95 = tpu.memref_squeeze %dma_wait3A_94 : memref<1x128xi32, #tpu.memory_space<vmem>> -> memref<128xi32, #tpu.memory_space<vmem>>
      %dma_wait3A_96 = arith.constant 0 : i32
      %dma_wait3A_97 = arith.constant 0 : i32
      %dma_wait3A_98 = tpu.memref_slice %arg2[%dma_wait3A_96, %dma_wait3A_97] : memref<1024x128xf32, #tpu.memory_space<hbm>> -> memref<1024x128xf32, #tpu.memory_space<hbm>>
      tpu.wait_indirect_dma semaphore(%arg13 : memref<!tpu.dma_semaphore, #tpu.memory_space<semaphore_mem>>) src(%dma_wait3A_98 : memref<1024x128xf32, #tpu.memory_space<hbm>>) dst(%arg8 : memref<128x128xf32, #tpu.memory_space<vmem>>)
      %add3A_99 = arith.constant 1 : i32
      %add3A_100 = arith.addi %mul3A_19, %add3A_99 : i32
      %mul3A_101 = arith.constant 128 : i32
      %mul3A_102 = arith.muli %add3A_100, %mul3A_101 : i32
      %add3A_103 = arith.addi %mul3A_2, %mul3A_102 : i32
      "tpu.region"() ({
        %run_scoped3A = tpu.sem_alloc : memref<!tpu.dma_semaphore, #tpu.memory_space<semaphore_mem>>
        %dma_start3A_126 = arith.constant 0 : i32
        %dma_start3A_127 = tpu.memref_slice %arg4[%add3A_103, %dma_start3A_126] : memref<65536x128xf32, #tpu.memory_space<hbm>> -> memref<128x128xf32, #tpu.memory_space<hbm>>
        %dma_start3A_128 = arith.constant 0 : i32
        %dma_start3A_129 = tpu.memref_slice %arg4[%add3A_103, %dma_start3A_128] : memref<65536x128xf32, #tpu.memory_space<hbm>> -> memref<128x128xf32, #tpu.memory_space<hbm>>
        tpu.enqueue_dma source(%arg8 : memref<128x128xf32, #tpu.memory_space<vmem>>) target(%dma_start3A_129 : memref<128x128xf32, #tpu.memory_space<hbm>>) target_semaphore(%run_scoped3A : memref<!tpu.dma_semaphore, #tpu.memory_space<semaphore_mem>>)
        %dma_wait3A_130 = arith.constant 0 : i32
        %dma_wait3A_131 = tpu.memref_slice %arg4[%add3A_103, %dma_wait3A_130] : memref<65536x128xf32, #tpu.memory_space<hbm>> -> memref<128x128xf32, #tpu.memory_space<hbm>>
        %dma_wait3A_132 = arith.constant 0 : i32
        %dma_wait3A_133 = tpu.memref_slice %arg4[%add3A_103, %dma_wait3A_132] : memref<65536x128xf32, #tpu.memory_space<hbm>> -> memref<128x128xf32, #tpu.memory_space<hbm>>
        tpu.wait_dma2 semaphore(%run_scoped3A : memref<!tpu.dma_semaphore, #tpu.memory_space<semaphore_mem>>) src(%arg8 : memref<128x128xf32, #tpu.memory_space<vmem>>) dst(%dma_wait3A_133 : memref<128x128xf32, #tpu.memory_space<hbm>>)
        tpu.yield
      }) : () -> ()
      %dma_wait3A_104 = arith.constant 0 : i32
      %dma_wait3A_105 = tpu.memref_slice %arg6[%add3A_36, %dma_wait3A_104] : memref<16x128xi32, #tpu.memory_space<vmem>> -> memref<1x128xi32, #tpu.memory_space<vmem>>
      %dma_wait3A_106 = tpu.memref_squeeze %dma_wait3A_105 : memref<1x128xi32, #tpu.memory_space<vmem>> -> memref<128xi32, #tpu.memory_space<vmem>>
      %dma_wait3A_107 = arith.constant 0 : i32
      %dma_wait3A_108 = arith.constant 0 : i32
      %dma_wait3A_109 = tpu.memref_slice %arg2[%dma_wait3A_107, %dma_wait3A_108] : memref<1024x128xf32, #tpu.memory_space<hbm>> -> memref<1024x128xf32, #tpu.memory_space<hbm>>
      tpu.wait_indirect_dma semaphore(%arg14 : memref<!tpu.dma_semaphore, #tpu.memory_space<semaphore_mem>>) src(%dma_wait3A_109 : memref<1024x128xf32, #tpu.memory_space<hbm>>) dst(%arg9 : memref<128x128xf32, #tpu.memory_space<vmem>>)
      %add3A_110 = arith.constant 2 : i32
      %add3A_111 = arith.addi %mul3A_19, %add3A_110 : i32
      %mul3A_112 = arith.constant 128 : i32
      %mul3A_113 = arith.muli %add3A_111, %mul3A_112 : i32
      %add3A_114 = arith.addi %mul3A_2, %mul3A_113 : i32
      "tpu.region"() ({
        %run_scoped3A = tpu.sem_alloc : memref<!tpu.dma_semaphore, #tpu.memory_space<semaphore_mem>>
        %dma_start3A_126 = arith.constant 0 : i32
        %dma_start3A_127 = tpu.memref_slice %arg4[%add3A_114, %dma_start3A_126] : memref<65536x128xf32, #tpu.memory_space<hbm>> -> memref<128x128xf32, #tpu.memory_space<hbm>>
        %dma_start3A_128 = arith.constant 0 : i32
        %dma_start3A_129 = tpu.memref_slice %arg4[%add3A_114, %dma_start3A_128] : memref<65536x128xf32, #tpu.memory_space<hbm>> -> memref<128x128xf32, #tpu.memory_space<hbm>>
        tpu.enqueue_dma source(%arg9 : memref<128x128xf32, #tpu.memory_space<vmem>>) target(%dma_start3A_129 : memref<128x128xf32, #tpu.memory_space<hbm>>) target_semaphore(%run_scoped3A : memref<!tpu.dma_semaphore, #tpu.memory_space<semaphore_mem>>)
        %dma_wait3A_130 = arith.constant 0 : i32
        %dma_wait3A_131 = tpu.memref_slice %arg4[%add3A_114, %dma_wait3A_130] : memref<65536x128xf32, #tpu.memory_space<hbm>> -> memref<128x128xf32, #tpu.memory_space<hbm>>
        %dma_wait3A_132 = arith.constant 0 : i32
        %dma_wait3A_133 = tpu.memref_slice %arg4[%add3A_114, %dma_wait3A_132] : memref<65536x128xf32, #tpu.memory_space<hbm>> -> memref<128x128xf32, #tpu.memory_space<hbm>>
        tpu.wait_dma2 semaphore(%run_scoped3A : memref<!tpu.dma_semaphore, #tpu.memory_space<semaphore_mem>>) src(%arg9 : memref<128x128xf32, #tpu.memory_space<vmem>>) dst(%dma_wait3A_133 : memref<128x128xf32, #tpu.memory_space<hbm>>)
        tpu.yield
      }) : () -> ()
      %dma_wait3A_115 = arith.constant 0 : i32
      %dma_wait3A_116 = tpu.memref_slice %arg6[%add3A_44, %dma_wait3A_115] : memref<16x128xi32, #tpu.memory_space<vmem>> -> memref<1x128xi32, #tpu.memory_space<vmem>>
      %dma_wait3A_117 = tpu.memref_squeeze %dma_wait3A_116 : memref<1x128xi32, #tpu.memory_space<vmem>> -> memref<128xi32, #tpu.memory_space<vmem>>
      %dma_wait3A_118 = arith.constant 0 : i32
      %dma_wait3A_119 = arith.constant 0 : i32
      %dma_wait3A_120 = tpu.memref_slice %arg2[%dma_wait3A_118, %dma_wait3A_119] : memref<1024x128xf32, #tpu.memory_space<hbm>> -> memref<1024x128xf32, #tpu.memory_space<hbm>>
      tpu.wait_indirect_dma semaphore(%arg15 : memref<!tpu.dma_semaphore, #tpu.memory_space<semaphore_mem>>) src(%dma_wait3A_120 : memref<1024x128xf32, #tpu.memory_space<hbm>>) dst(%arg10 : memref<128x128xf32, #tpu.memory_space<vmem>>)
      %add3A_121 = arith.constant 3 : i32
      %add3A_122 = arith.addi %mul3A_19, %add3A_121 : i32
      %mul3A_123 = arith.constant 128 : i32
      %mul3A_124 = arith.muli %add3A_122, %mul3A_123 : i32
      %add3A_125 = arith.addi %mul3A_2, %mul3A_124 : i32
      "tpu.region"() ({
        %run_scoped3A = tpu.sem_alloc : memref<!tpu.dma_semaphore, #tpu.memory_space<semaphore_mem>>
        %dma_start3A_126 = arith.constant 0 : i32
        %dma_start3A_127 = tpu.memref_slice %arg4[%add3A_125, %dma_start3A_126] : memref<65536x128xf32, #tpu.memory_space<hbm>> -> memref<128x128xf32, #tpu.memory_space<hbm>>
        %dma_start3A_128 = arith.constant 0 : i32
        %dma_start3A_129 = tpu.memref_slice %arg4[%add3A_125, %dma_start3A_128] : memref<65536x128xf32, #tpu.memory_space<hbm>> -> memref<128x128xf32, #tpu.memory_space<hbm>>
        tpu.enqueue_dma source(%arg10 : memref<128x128xf32, #tpu.memory_space<vmem>>) target(%dma_start3A_129 : memref<128x128xf32, #tpu.memory_space<hbm>>) target_semaphore(%run_scoped3A : memref<!tpu.dma_semaphore, #tpu.memory_space<semaphore_mem>>)
        %dma_wait3A_130 = arith.constant 0 : i32
        %dma_wait3A_131 = tpu.memref_slice %arg4[%add3A_125, %dma_wait3A_130] : memref<65536x128xf32, #tpu.memory_space<hbm>> -> memref<128x128xf32, #tpu.memory_space<hbm>>
        %dma_wait3A_132 = arith.constant 0 : i32
        %dma_wait3A_133 = tpu.memref_slice %arg4[%add3A_125, %dma_wait3A_132] : memref<65536x128xf32, #tpu.memory_space<hbm>> -> memref<128x128xf32, #tpu.memory_space<hbm>>
        tpu.wait_dma2 semaphore(%run_scoped3A : memref<!tpu.dma_semaphore, #tpu.memory_space<semaphore_mem>>) src(%arg10 : memref<128x128xf32, #tpu.memory_space<vmem>>) dst(%dma_wait3A_133 : memref<128x128xf32, #tpu.memory_space<hbm>>)
        tpu.yield
      }) : () -> ()
    }
    %scan3A_16 = arith.constant 4 : i32
    "tpu.region"() ({
      %run_scoped3A = tpu.sem_alloc : memref<!tpu.dma_semaphore, #tpu.memory_space<semaphore_mem>>
      %dma_start3A = arith.constant 0 : i32
      %dma_start3A_17 = tpu.memref_slice %arg5[%add3A, %dma_start3A] : memref<32x1024xf32, #tpu.memory_space<hbm>> -> memref<1x1024xf32, #tpu.memory_space<hbm>>
      %dma_start3A_18 = tpu.memref_squeeze %dma_start3A_17 : memref<1x1024xf32, #tpu.memory_space<hbm>> -> memref<1024xf32, #tpu.memory_space<hbm>>
      %dma_start3A_19 = arith.constant 0 : i32
      %dma_start3A_20 = tpu.memref_slice %arg5[%add3A, %dma_start3A_19] : memref<32x1024xf32, #tpu.memory_space<hbm>> -> memref<1x1024xf32, #tpu.memory_space<hbm>>
      %dma_start3A_21 = tpu.memref_squeeze %dma_start3A_20 : memref<1x1024xf32, #tpu.memory_space<hbm>> -> memref<1024xf32, #tpu.memory_space<hbm>>
      tpu.enqueue_dma source(%arg11 : memref<1024xf32, #tpu.memory_space<vmem>>) target(%dma_start3A_21 : memref<1024xf32, #tpu.memory_space<hbm>>) target_semaphore(%run_scoped3A : memref<!tpu.dma_semaphore, #tpu.memory_space<semaphore_mem>>)
      %dma_wait3A = arith.constant 0 : i32
      %dma_wait3A_22 = tpu.memref_slice %arg5[%add3A, %dma_wait3A] : memref<32x1024xf32, #tpu.memory_space<hbm>> -> memref<1x1024xf32, #tpu.memory_space<hbm>>
      %dma_wait3A_23 = tpu.memref_squeeze %dma_wait3A_22 : memref<1x1024xf32, #tpu.memory_space<hbm>> -> memref<1024xf32, #tpu.memory_space<hbm>>
      %dma_wait3A_24 = arith.constant 0 : i32
      %dma_wait3A_25 = tpu.memref_slice %arg5[%add3A, %dma_wait3A_24] : memref<32x1024xf32, #tpu.memory_space<hbm>> -> memref<1x1024xf32, #tpu.memory_space<hbm>>
      %dma_wait3A_26 = tpu.memref_squeeze %dma_wait3A_25 : memref<1x1024xf32, #tpu.memory_space<hbm>> -> memref<1024xf32, #tpu.memory_space<hbm>>
      tpu.wait_dma2 semaphore(%run_scoped3A : memref<!tpu.dma_semaphore, #tpu.memory_space<semaphore_mem>>) src(%arg11 : memref<1024xf32, #tpu.memory_space<vmem>>) dst(%dma_wait3A_26 : memref<1024xf32, #tpu.memory_space<hbm>>)
      tpu.yield
    }) : () -> ()
    return
  }
}

#map = affine_map<(d0, d1) -> (0, 0)>
module attributes {stable_mosaic.version = 14 : i64} {
  func.func @_gather_count_body(%arg0: i32, %arg1: i32, %arg2: memref<1024x128xf32, #tpu.memory_space<hbm>>, %arg3: memref<512x128xi32, #tpu.memory_space<hbm>>, %arg4: memref<65536x128xf32, #tpu.memory_space<hbm>>, %arg5: memref<32x1024xf32, #tpu.memory_space<hbm>>, %arg6: memref<16x128xi32, #tpu.memory_space<vmem>>, %arg7: memref<128x128xf32, #tpu.memory_space<vmem>>, %arg8: memref<128x128xf32, #tpu.memory_space<vmem>>, %arg9: memref<128x128xf32, #tpu.memory_space<vmem>>, %arg10: memref<128x128xf32, #tpu.memory_space<vmem>>, %arg11: memref<1024xf32, #tpu.memory_space<vmem>>, %arg12: memref<!tpu.dma_semaphore, #tpu.memory_space<semaphore_mem>>, %arg13: memref<!tpu.dma_semaphore, #tpu.memory_space<semaphore_mem>>, %arg14: memref<!tpu.dma_semaphore, #tpu.memory_space<semaphore_mem>>, %arg15: memref<!tpu.dma_semaphore, #tpu.memory_space<semaphore_mem>>) attributes {dimension_semantics = [#tpu.dimension_semantics<core_parallel>, #tpu.dimension_semantics<subcore_parallel>], iteration_bounds = array<i64: 2, 16>, scalar_prefetch = 0 : i64, scratch_operands = 10 : i64, tpu.core_type = #tpu.core_type<sc_vector_subcore>, window_params = [{transform_indices = #map}, {transform_indices = #map}, {transform_indices = #map}, {transform_indices = #map}]} {
    %mul3A = arith.constant 2 : i32
    %mul3A_0 = arith.muli %arg1, %mul3A : i32
    %add3A = arith.addi %mul3A_0, %arg0 : i32
    %mul3A_1 = arith.constant 2048 : i32
    %mul3A_2 = arith.muli %add3A, %mul3A_1 : i32
    %mul3A_3 = arith.constant 16 : i32
    %mul3A_4 = arith.muli %add3A, %mul3A_3 : i32
    "tpu.region"() ({
      %run_scoped3A = tpu.sem_alloc : memref<!tpu.dma_semaphore, #tpu.memory_space<semaphore_mem>>
      %dma_start3A = arith.constant 0 : i32
      %dma_start3A_17 = tpu.memref_slice %arg3[%mul3A_4, %dma_start3A] : memref<512x128xi32, #tpu.memory_space<hbm>> -> memref<16x128xi32, #tpu.memory_space<hbm>>
      %dma_start3A_18 = arith.constant 0 : i32
      %dma_start3A_19 = tpu.memref_slice %arg3[%mul3A_4, %dma_start3A_18] : memref<512x128xi32, #tpu.memory_space<hbm>> -> memref<16x128xi32, #tpu.memory_space<hbm>>
      tpu.enqueue_dma source(%dma_start3A_19 : memref<16x128xi32, #tpu.memory_space<hbm>>) target(%arg6 : memref<16x128xi32, #tpu.memory_space<vmem>>) target_semaphore(%run_scoped3A : memref<!tpu.dma_semaphore, #tpu.memory_space<semaphore_mem>>)
      %dma_wait3A = arith.constant 0 : i32
      %dma_wait3A_20 = tpu.memref_slice %arg3[%mul3A_4, %dma_wait3A] : memref<512x128xi32, #tpu.memory_space<hbm>> -> memref<16x128xi32, #tpu.memory_space<hbm>>
      %dma_wait3A_21 = arith.constant 0 : i32
      %dma_wait3A_22 = tpu.memref_slice %arg3[%mul3A_4, %dma_wait3A_21] : memref<512x128xi32, #tpu.memory_space<hbm>> -> memref<16x128xi32, #tpu.memory_space<hbm>>
      tpu.wait_dma2 semaphore(%run_scoped3A : memref<!tpu.dma_semaphore, #tpu.memory_space<semaphore_mem>>) src(%dma_wait3A_22 : memref<16x128xi32, #tpu.memory_space<hbm>>) dst(%arg6 : memref<16x128xi32, #tpu.memory_space<vmem>>)
      tpu.yield
    }) : () -> ()
    %scan3A = arith.constant 0 : i32
    %scan3A_5 = arith.constant 0 : i32
    %scan3A_6 = arith.constant 64 : i32
    %scan3A_7 = arith.addi %scan3A_5, %scan3A_6 : i32
    %scan3A_8 = arith.constant 1 : i32
    scf.for %scan3A_17 = %scan3A_5 to %scan3A_7 step %scan3A_8  : i32 {
      %broadcast_in_dim3A_18 = arith.constant 0.000000e+00 : f32
      %broadcast_in_dim3A_19 = vector.broadcast %broadcast_in_dim3A_18 : f32 to vector<16xf32>
      %mul3A_20 = arith.constant 16 : i32
      %mul3A_21 = arith.muli %scan3A_17, %mul3A_20 : i32
      %swap3A = arith.index_cast %mul3A_21 : i32 to index
      %swap3A_22 = tpu.vector_load %arg11[%swap3A] {strides = array<i32>} : memref<1024xf32, #tpu.memory_space<vmem>>, vector<16xf32>,
      tpu.vector_store %arg11[%swap3A], %broadcast_in_dim3A_19 {strides = array<i32>} : memref<1024xf32, #tpu.memory_space<vmem>>, vector<16xf32>,
    }
    %scan3A_9 = arith.constant 64 : i32
    %broadcast_in_dim3A = arith.constant 1.000000e+00 : f32
    %broadcast_in_dim3A_10 = vector.broadcast %broadcast_in_dim3A : f32 to vector<16xf32>
    %scan3A_11 = arith.constant 0 : i32
    %scan3A_12 = arith.constant 0 : i32
    %scan3A_13 = arith.constant 4 : i32
    %scan3A_14 = arith.addi %scan3A_12, %scan3A_13 : i32
    %scan3A_15 = arith.constant 1 : i32
    scf.for %scan3A_17 = %scan3A_12 to %scan3A_14 step %scan3A_15  : i32 {
      %mul3A_18 = arith.constant 4 : i32
      %mul3A_19 = arith.muli %mul3A_18, %scan3A_17 : i32
      %add3A_20 = arith.constant 0 : i32
      %add3A_21 = arith.addi %mul3A_19, %add3A_20 : i32
      %dma_start3A = arith.constant 0 : i32
      %dma_start3A_22 = tpu.memref_slice %arg6[%add3A_21, %dma_start3A] : memref<16x128xi32, #tpu.memory_space<vmem>> -> memref<1x128xi32, #tpu.memory_space<vmem>>
      %dma_start3A_23 = tpu.memref_squeeze %dma_start3A_22 : memref<1x128xi32, #tpu.memory_space<vmem>> -> memref<128xi32, #tpu.memory_space<vmem>>
      %dma_start3A_24 = arith.constant 0 : i32
      %dma_start3A_25 = arith.constant 0 : i32
      %dma_start3A_26 = tpu.memref_slice %arg2[%dma_start3A_24, %dma_start3A_25] : memref<1024x128xf32, #tpu.memory_space<hbm>> -> memref<1024x128xf32, #tpu.memory_space<hbm>>
      tpu.enqueue_indirect_dma source(%dma_start3A_26 : memref<1024x128xf32, #tpu.memory_space<hbm>>) target(%arg7 : memref<128x128xf32, #tpu.memory_space<vmem>>) offsets(%dma_start3A_23 : memref<128xi32, #tpu.memory_space<vmem>>) semaphore(%arg12 : memref<!tpu.dma_semaphore, #tpu.memory_space<semaphore_mem>>)
      %add3A_27 = arith.constant 1 : i32
      %add3A_28 = arith.addi %mul3A_19, %add3A_27 : i32
      %dma_start3A_29 = arith.constant 0 : i32
      %dma_start3A_30 = tpu.memref_slice %arg6[%add3A_28, %dma_start3A_29] : memref<16x128xi32, #tpu.memory_space<vmem>> -> memref<1x128xi32, #tpu.memory_space<vmem>>
      %dma_start3A_31 = tpu.memref_squeeze %dma_start3A_30 : memref<1x128xi32, #tpu.memory_space<vmem>> -> memref<128xi32, #tpu.memory_space<vmem>>
      %dma_start3A_32 = arith.constant 0 : i32
      %dma_start3A_33 = arith.constant 0 : i32
      %dma_start3A_34 = tpu.memref_slice %arg2[%dma_start3A_32, %dma_start3A_33] : memref<1024x128xf32, #tpu.memory_space<hbm>> -> memref<1024x128xf32, #tpu.memory_space<hbm>>
      tpu.enqueue_indirect_dma source(%dma_start3A_34 : memref<1024x128xf32, #tpu.memory_space<hbm>>) target(%arg8 : memref<128x128xf32, #tpu.memory_space<vmem>>) offsets(%dma_start3A_31 : memref<128xi32, #tpu.memory_space<vmem>>) semaphore(%arg13 : memref<!tpu.dma_semaphore, #tpu.memory_space<semaphore_mem>>)
      %add3A_35 = arith.constant 2 : i32
      %add3A_36 = arith.addi %mul3A_19, %add3A_35 : i32
      %dma_start3A_37 = arith.constant 0 : i32
      %dma_start3A_38 = tpu.memref_slice %arg6[%add3A_36, %dma_start3A_37] : memref<16x128xi32, #tpu.memory_space<vmem>> -> memref<1x128xi32, #tpu.memory_space<vmem>>
      %dma_start3A_39 = tpu.memref_squeeze %dma_start3A_38 : memref<1x128xi32, #tpu.memory_space<vmem>> -> memref<128xi32, #tpu.memory_space<vmem>>
      %dma_start3A_40 = arith.constant 0 : i32
      %dma_start3A_41 = arith.constant 0 : i32
      %dma_start3A_42 = tpu.memref_slice %arg2[%dma_start3A_40, %dma_start3A_41] : memref<1024x128xf32, #tpu.memory_space<hbm>> -> memref<1024x128xf32, #tpu.memory_space<hbm>>
      tpu.enqueue_indirect_dma source(%dma_start3A_42 : memref<1024x128xf32, #tpu.memory_space<hbm>>) target(%arg9 : memref<128x128xf32, #tpu.memory_space<vmem>>) offsets(%dma_start3A_39 : memref<128xi32, #tpu.memory_space<vmem>>) semaphore(%arg14 : memref<!tpu.dma_semaphore, #tpu.memory_space<semaphore_mem>>)
      %add3A_43 = arith.constant 3 : i32
      %add3A_44 = arith.addi %mul3A_19, %add3A_43 : i32
      %dma_start3A_45 = arith.constant 0 : i32
      %dma_start3A_46 = tpu.memref_slice %arg6[%add3A_44, %dma_start3A_45] : memref<16x128xi32, #tpu.memory_space<vmem>> -> memref<1x128xi32, #tpu.memory_space<vmem>>
      %dma_start3A_47 = tpu.memref_squeeze %dma_start3A_46 : memref<1x128xi32, #tpu.memory_space<vmem>> -> memref<128xi32, #tpu.memory_space<vmem>>
      %dma_start3A_48 = arith.constant 0 : i32
      %dma_start3A_49 = arith.constant 0 : i32
      %dma_start3A_50 = tpu.memref_slice %arg2[%dma_start3A_48, %dma_start3A_49] : memref<1024x128xf32, #tpu.memory_space<hbm>> -> memref<1024x128xf32, #tpu.memory_space<hbm>>
      tpu.enqueue_indirect_dma source(%dma_start3A_50 : memref<1024x128xf32, #tpu.memory_space<hbm>>) target(%arg10 : memref<128x128xf32, #tpu.memory_space<vmem>>) offsets(%dma_start3A_47 : memref<128xi32, #tpu.memory_space<vmem>>) semaphore(%arg15 : memref<!tpu.dma_semaphore, #tpu.memory_space<semaphore_mem>>)
      %add3A_51 = arith.constant 0 : i32
      %add3A_52 = arith.addi %mul3A_19, %add3A_51 : i32
      %scan3A_53 = arith.constant 0 : i32
      %scan3A_54 = arith.constant 0 : i32
      %scan3A_55 = arith.constant 8 : i32
      %scan3A_56 = arith.addi %scan3A_54, %scan3A_55 : i32
      %scan3A_57 = arith.constant 1 : i32
      scf.for %scan3A_126 = %scan3A_54 to %scan3A_56 step %scan3A_57  : i32 {
        %mul3A_127 = arith.constant 16 : i32
        %mul3A_128 = arith.muli %scan3A_126, %mul3A_127 : i32
        %get3A = arith.index_cast %add3A_52 : i32 to index
        %get3A_129 = arith.index_cast %mul3A_128 : i32 to index
        %get3A_130 = tpu.vector_load %arg6[%get3A, %get3A_129] {strides = array<i32>} : memref<16x128xi32, #tpu.memory_space<vmem>>, vector<16xi32>,
        tpu.vector_store_idx %arg11[%get3A_130], %broadcast_in_dim3A_10 {add = true} : memref<1024xf32, #tpu.memory_space<vmem>>[vector<16xi32>], vector<16xf32>,
      }
      %scan3A_58 = arith.constant 8 : i32
      %add3A_59 = arith.constant 1 : i32
      %add3A_60 = arith.addi %mul3A_19, %add3A_59 : i32
      %scan3A_61 = arith.constant 0 : i32
      %scan3A_62 = arith.constant 0 : i32
      %scan3A_63 = arith.constant 8 : i32
      %scan3A_64 = arith.addi %scan3A_62, %scan3A_63 : i32
      %scan3A_65 = arith.constant 1 : i32
      scf.for %scan3A_126 = %scan3A_62 to %scan3A_64 step %scan3A_65  : i32 {
        %mul3A_127 = arith.constant 16 : i32
        %mul3A_128 = arith.muli %scan3A_126, %mul3A_127 : i32
        %get3A = arith.index_cast %add3A_60 : i32 to index
        %get3A_129 = arith.index_cast %mul3A_128 : i32 to index
        %get3A_130 = tpu.vector_load %arg6[%get3A, %get3A_129] {strides = array<i32>} : memref<16x128xi32, #tpu.memory_space<vmem>>, vector<16xi32>,
        tpu.vector_store_idx %arg11[%get3A_130], %broadcast_in_dim3A_10 {add = true} : memref<1024xf32, #tpu.memory_space<vmem>>[vector<16xi32>], vector<16xf32>,
      }
      %scan3A_66 = arith.constant 8 : i32
      %add3A_67 = arith.constant 2 : i32
      %add3A_68 = arith.addi %mul3A_19, %add3A_67 : i32
      %scan3A_69 = arith.constant 0 : i32
      %scan3A_70 = arith.constant 0 : i32
      %scan3A_71 = arith.constant 8 : i32
      %scan3A_72 = arith.addi %scan3A_70, %scan3A_71 : i32
      %scan3A_73 = arith.constant 1 : i32
      scf.for %scan3A_126 = %scan3A_70 to %scan3A_72 step %scan3A_73  : i32 {
        %mul3A_127 = arith.constant 16 : i32
        %mul3A_128 = arith.muli %scan3A_126, %mul3A_127 : i32
        %get3A = arith.index_cast %add3A_68 : i32 to index
        %get3A_129 = arith.index_cast %mul3A_128 : i32 to index
        %get3A_130 = tpu.vector_load %arg6[%get3A, %get3A_129] {strides = array<i32>} : memref<16x128xi32, #tpu.memory_space<vmem>>, vector<16xi32>,
        tpu.vector_store_idx %arg11[%get3A_130], %broadcast_in_dim3A_10 {add = true} : memref<1024xf32, #tpu.memory_space<vmem>>[vector<16xi32>], vector<16xf32>,
      }
      %scan3A_74 = arith.constant 8 : i32
      %add3A_75 = arith.constant 3 : i32
      %add3A_76 = arith.addi %mul3A_19, %add3A_75 : i32
      %scan3A_77 = arith.constant 0 : i32
      %scan3A_78 = arith.constant 0 : i32
      %scan3A_79 = arith.constant 8 : i32
      %scan3A_80 = arith.addi %scan3A_78, %scan3A_79 : i32
      %scan3A_81 = arith.constant 1 : i32
      scf.for %scan3A_126 = %scan3A_78 to %scan3A_80 step %scan3A_81  : i32 {
        %mul3A_127 = arith.constant 16 : i32
        %mul3A_128 = arith.muli %scan3A_126, %mul3A_127 : i32
        %get3A = arith.index_cast %add3A_76 : i32 to index
        %get3A_129 = arith.index_cast %mul3A_128 : i32 to index
        %get3A_130 = tpu.vector_load %arg6[%get3A, %get3A_129] {strides = array<i32>} : memref<16x128xi32, #tpu.memory_space<vmem>>, vector<16xi32>,
        tpu.vector_store_idx %arg11[%get3A_130], %broadcast_in_dim3A_10 {add = true} : memref<1024xf32, #tpu.memory_space<vmem>>[vector<16xi32>], vector<16xf32>,
      }
      %scan3A_82 = arith.constant 8 : i32
      %dma_wait3A = arith.constant 0 : i32
      %dma_wait3A_83 = tpu.memref_slice %arg6[%add3A_21, %dma_wait3A] : memref<16x128xi32, #tpu.memory_space<vmem>> -> memref<1x128xi32, #tpu.memory_space<vmem>>
      %dma_wait3A_84 = tpu.memref_squeeze %dma_wait3A_83 : memref<1x128xi32, #tpu.memory_space<vmem>> -> memref<128xi32, #tpu.memory_space<vmem>>
      %dma_wait3A_85 = arith.constant 0 : i32
      %dma_wait3A_86 = arith.constant 0 : i32
      %dma_wait3A_87 = tpu.memref_slice %arg2[%dma_wait3A_85, %dma_wait3A_86] : memref<1024x128xf32, #tpu.memory_space<hbm>> -> memref<1024x128xf32, #tpu.memory_space<hbm>>
      tpu.wait_indirect_dma semaphore(%arg12 : memref<!tpu.dma_semaphore, #tpu.memory_space<semaphore_mem>>) src(%dma_wait3A_87 : memref<1024x128xf32, #tpu.memory_space<hbm>>) dst(%arg7 : memref<128x128xf32, #tpu.memory_space<vmem>>)
      %add3A_88 = arith.constant 0 : i32
      %add3A_89 = arith.addi %mul3A_19, %add3A_88 : i32
      %mul3A_90 = arith.constant 128 : i32
      %mul3A_91 = arith.muli %add3A_89, %mul3A_90 : i32
      %add3A_92 = arith.addi %mul3A_2, %mul3A_91 : i32
      "tpu.region"() ({
        %run_scoped3A = tpu.sem_alloc : memref<!tpu.dma_semaphore, #tpu.memory_space<semaphore_mem>>
        %dma_start3A_126 = arith.constant 0 : i32
        %dma_start3A_127 = tpu.memref_slice %arg4[%add3A_92, %dma_start3A_126] : memref<65536x128xf32, #tpu.memory_space<hbm>> -> memref<128x128xf32, #tpu.memory_space<hbm>>
        %dma_start3A_128 = arith.constant 0 : i32
        %dma_start3A_129 = tpu.memref_slice %arg4[%add3A_92, %dma_start3A_128] : memref<65536x128xf32, #tpu.memory_space<hbm>> -> memref<128x128xf32, #tpu.memory_space<hbm>>
        tpu.enqueue_dma source(%arg7 : memref<128x128xf32, #tpu.memory_space<vmem>>) target(%dma_start3A_129 : memref<128x128xf32, #tpu.memory_space<hbm>>) target_semaphore(%run_scoped3A : memref<!tpu.dma_semaphore, #tpu.memory_space<semaphore_mem>>)
        %dma_wait3A_130 = arith.constant 0 : i32
        %dma_wait3A_131 = tpu.memref_slice %arg4[%add3A_92, %dma_wait3A_130] : memref<65536x128xf32, #tpu.memory_space<hbm>> -> memref<128x128xf32, #tpu.memory_space<hbm>>
        %dma_wait3A_132 = arith.constant 0 : i32
        %dma_wait3A_133 = tpu.memref_slice %arg4[%add3A_92, %dma_wait3A_132] : memref<65536x128xf32, #tpu.memory_space<hbm>> -> memref<128x128xf32, #tpu.memory_space<hbm>>
        tpu.wait_dma2 semaphore(%run_scoped3A : memref<!tpu.dma_semaphore, #tpu.memory_space<semaphore_mem>>) src(%arg7 : memref<128x128xf32, #tpu.memory_space<vmem>>) dst(%dma_wait3A_133 : memref<128x128xf32, #tpu.memory_space<hbm>>)
        tpu.yield
      }) : () -> ()
      %dma_wait3A_93 = arith.constant 0 : i32
      %dma_wait3A_94 = tpu.memref_slice %arg6[%add3A_28, %dma_wait3A_93] : memref<16x128xi32, #tpu.memory_space<vmem>> -> memref<1x128xi32, #tpu.memory_space<vmem>>
      %dma_wait3A_95 = tpu.memref_squeeze %dma_wait3A_94 : memref<1x128xi32, #tpu.memory_space<vmem>> -> memref<128xi32, #tpu.memory_space<vmem>>
      %dma_wait3A_96 = arith.constant 0 : i32
      %dma_wait3A_97 = arith.constant 0 : i32
      %dma_wait3A_98 = tpu.memref_slice %arg2[%dma_wait3A_96, %dma_wait3A_97] : memref<1024x128xf32, #tpu.memory_space<hbm>> -> memref<1024x128xf32, #tpu.memory_space<hbm>>
      tpu.wait_indirect_dma semaphore(%arg13 : memref<!tpu.dma_semaphore, #tpu.memory_space<semaphore_mem>>) src(%dma_wait3A_98 : memref<1024x128xf32, #tpu.memory_space<hbm>>) dst(%arg8 : memref<128x128xf32, #tpu.memory_space<vmem>>)
      %add3A_99 = arith.constant 1 : i32
      %add3A_100 = arith.addi %mul3A_19, %add3A_99 : i32
      %mul3A_101 = arith.constant 128 : i32
      %mul3A_102 = arith.muli %add3A_100, %mul3A_101 : i32
      %add3A_103 = arith.addi %mul3A_2, %mul3A_102 : i32
      "tpu.region"() ({
        %run_scoped3A = tpu.sem_alloc : memref<!tpu.dma_semaphore, #tpu.memory_space<semaphore_mem>>
        %dma_start3A_126 = arith.constant 0 : i32
        %dma_start3A_127 = tpu.memref_slice %arg4[%add3A_103, %dma_start3A_126] : memref<65536x128xf32, #tpu.memory_space<hbm>> -> memref<128x128xf32, #tpu.memory_space<hbm>>
        %dma_start3A_128 = arith.constant 0 : i32
        %dma_start3A_129 = tpu.memref_slice %arg4[%add3A_103, %dma_start3A_128] : memref<65536x128xf32, #tpu.memory_space<hbm>> -> memref<128x128xf32, #tpu.memory_space<hbm>>
        tpu.enqueue_dma source(%arg8 : memref<128x128xf32, #tpu.memory_space<vmem>>) target(%dma_start3A_129 : memref<128x128xf32, #tpu.memory_space<hbm>>) target_semaphore(%run_scoped3A : memref<!tpu.dma_semaphore, #tpu.memory_space<semaphore_mem>>)
        %dma_wait3A_130 = arith.constant 0 : i32
        %dma_wait3A_131 = tpu.memref_slice %arg4[%add3A_103, %dma_wait3A_130] : memref<65536x128xf32, #tpu.memory_space<hbm>> -> memref<128x128xf32, #tpu.memory_space<hbm>>
        %dma_wait3A_132 = arith.constant 0 : i32
        %dma_wait3A_133 = tpu.memref_slice %arg4[%add3A_103, %dma_wait3A_132] : memref<65536x128xf32, #tpu.memory_space<hbm>> -> memref<128x128xf32, #tpu.memory_space<hbm>>
        tpu.wait_dma2 semaphore(%run_scoped3A : memref<!tpu.dma_semaphore, #tpu.memory_space<semaphore_mem>>) src(%arg8 : memref<128x128xf32, #tpu.memory_space<vmem>>) dst(%dma_wait3A_133 : memref<128x128xf32, #tpu.memory_space<hbm>>)
        tpu.yield
      }) : () -> ()
      %dma_wait3A_104 = arith.constant 0 : i32
      %dma_wait3A_105 = tpu.memref_slice %arg6[%add3A_36, %dma_wait3A_104] : memref<16x128xi32, #tpu.memory_space<vmem>> -> memref<1x128xi32, #tpu.memory_space<vmem>>
      %dma_wait3A_106 = tpu.memref_squeeze %dma_wait3A_105 : memref<1x128xi32, #tpu.memory_space<vmem>> -> memref<128xi32, #tpu.memory_space<vmem>>
      %dma_wait3A_107 = arith.constant 0 : i32
      %dma_wait3A_108 = arith.constant 0 : i32
      %dma_wait3A_109 = tpu.memref_slice %arg2[%dma_wait3A_107, %dma_wait3A_108] : memref<1024x128xf32, #tpu.memory_space<hbm>> -> memref<1024x128xf32, #tpu.memory_space<hbm>>
      tpu.wait_indirect_dma semaphore(%arg14 : memref<!tpu.dma_semaphore, #tpu.memory_space<semaphore_mem>>) src(%dma_wait3A_109 : memref<1024x128xf32, #tpu.memory_space<hbm>>) dst(%arg9 : memref<128x128xf32, #tpu.memory_space<vmem>>)
      %add3A_110 = arith.constant 2 : i32
      %add3A_111 = arith.addi %mul3A_19, %add3A_110 : i32
      %mul3A_112 = arith.constant 128 : i32
      %mul3A_113 = arith.muli %add3A_111, %mul3A_112 : i32
      %add3A_114 = arith.addi %mul3A_2, %mul3A_113 : i32
      "tpu.region"() ({
        %run_scoped3A = tpu.sem_alloc : memref<!tpu.dma_semaphore, #tpu.memory_space<semaphore_mem>>
        %dma_start3A_126 = arith.constant 0 : i32
        %dma_start3A_127 = tpu.memref_slice %arg4[%add3A_114, %dma_start3A_126] : memref<65536x128xf32, #tpu.memory_space<hbm>> -> memref<128x128xf32, #tpu.memory_space<hbm>>
        %dma_start3A_128 = arith.constant 0 : i32
        %dma_start3A_129 = tpu.memref_slice %arg4[%add3A_114, %dma_start3A_128] : memref<65536x128xf32, #tpu.memory_space<hbm>> -> memref<128x128xf32, #tpu.memory_space<hbm>>
        tpu.enqueue_dma source(%arg9 : memref<128x128xf32, #tpu.memory_space<vmem>>) target(%dma_start3A_129 : memref<128x128xf32, #tpu.memory_space<hbm>>) target_semaphore(%run_scoped3A : memref<!tpu.dma_semaphore, #tpu.memory_space<semaphore_mem>>)
        %dma_wait3A_130 = arith.constant 0 : i32
        %dma_wait3A_131 = tpu.memref_slice %arg4[%add3A_114, %dma_wait3A_130] : memref<65536x128xf32, #tpu.memory_space<hbm>> -> memref<128x128xf32, #tpu.memory_space<hbm>>
        %dma_wait3A_132 = arith.constant 0 : i32
        %dma_wait3A_133 = tpu.memref_slice %arg4[%add3A_114, %dma_wait3A_132] : memref<65536x128xf32, #tpu.memory_space<hbm>> -> memref<128x128xf32, #tpu.memory_space<hbm>>
        tpu.wait_dma2 semaphore(%run_scoped3A : memref<!tpu.dma_semaphore, #tpu.memory_space<semaphore_mem>>) src(%arg9 : memref<128x128xf32, #tpu.memory_space<vmem>>) dst(%dma_wait3A_133 : memref<128x128xf32, #tpu.memory_space<hbm>>)
        tpu.yield
      }) : () -> ()
      %dma_wait3A_115 = arith.constant 0 : i32
      %dma_wait3A_116 = tpu.memref_slice %arg6[%add3A_44, %dma_wait3A_115] : memref<16x128xi32, #tpu.memory_space<vmem>> -> memref<1x128xi32, #tpu.memory_space<vmem>>
      %dma_wait3A_117 = tpu.memref_squeeze %dma_wait3A_116 : memref<1x128xi32, #tpu.memory_space<vmem>> -> memref<128xi32, #tpu.memory_space<vmem>>
      %dma_wait3A_118 = arith.constant 0 : i32
      %dma_wait3A_119 = arith.constant 0 : i32
      %dma_wait3A_120 = tpu.memref_slice %arg2[%dma_wait3A_118, %dma_wait3A_119] : memref<1024x128xf32, #tpu.memory_space<hbm>> -> memref<1024x128xf32, #tpu.memory_space<hbm>>
      tpu.wait_indirect_dma semaphore(%arg15 : memref<!tpu.dma_semaphore, #tpu.memory_space<semaphore_mem>>) src(%dma_wait3A_120 : memref<1024x128xf32, #tpu.memory_space<hbm>>) dst(%arg10 : memref<128x128xf32, #tpu.memory_space<vmem>>)
      %add3A_121 = arith.constant 3 : i32
      %add3A_122 = arith.addi %mul3A_19, %add3A_121 : i32
      %mul3A_123 = arith.constant 128 : i32
      %mul3A_124 = arith.muli %add3A_122, %mul3A_123 : i32
      %add3A_125 = arith.addi %mul3A_2, %mul3A_124 : i32
      "tpu.region"() ({
        %run_scoped3A = tpu.sem_alloc : memref<!tpu.dma_semaphore, #tpu.memory_space<semaphore_mem>>
        %dma_start3A_126 = arith.constant 0 : i32
        %dma_start3A_127 = tpu.memref_slice %arg4[%add3A_125, %dma_start3A_126] : memref<65536x128xf32, #tpu.memory_space<hbm>> -> memref<128x128xf32, #tpu.memory_space<hbm>>
        %dma_start3A_128 = arith.constant 0 : i32
        %dma_start3A_129 = tpu.memref_slice %arg4[%add3A_125, %dma_start3A_128] : memref<65536x128xf32, #tpu.memory_space<hbm>> -> memref<128x128xf32, #tpu.memory_space<hbm>>
        tpu.enqueue_dma source(%arg10 : memref<128x128xf32, #tpu.memory_space<vmem>>) target(%dma_start3A_129 : memref<128x128xf32, #tpu.memory_space<hbm>>) target_semaphore(%run_scoped3A : memref<!tpu.dma_semaphore, #tpu.memory_space<semaphore_mem>>)
        %dma_wait3A_130 = arith.constant 0 : i32
        %dma_wait3A_131 = tpu.memref_slice %arg4[%add3A_125, %dma_wait3A_130] : memref<65536x128xf32, #tpu.memory_space<hbm>> -> memref<128x128xf32, #tpu.memory_space<hbm>>
        %dma_wait3A_132 = arith.constant 0 : i32
        %dma_wait3A_133 = tpu.memref_slice %arg4[%add3A_125, %dma_wait3A_132] : memref<65536x128xf32, #tpu.memory_space<hbm>> -> memref<128x128xf32, #tpu.memory_space<hbm>>
        tpu.wait_dma2 semaphore(%run_scoped3A : memref<!tpu.dma_semaphore, #tpu.memory_space<semaphore_mem>>) src(%arg10 : memref<128x128xf32, #tpu.memory_space<vmem>>) dst(%dma_wait3A_133 : memref<128x128xf32, #tpu.memory_space<hbm>>)
        tpu.yield
      }) : () -> ()
    }
    %scan3A_16 = arith.constant 4 : i32
    "tpu.region"() ({
      %run_scoped3A = tpu.sem_alloc : memref<!tpu.dma_semaphore, #tpu.memory_space<semaphore_mem>>
      %dma_start3A = arith.constant 0 : i32
      %dma_start3A_17 = tpu.memref_slice %arg5[%add3A, %dma_start3A] : memref<32x1024xf32, #tpu.memory_space<hbm>> -> memref<1x1024xf32, #tpu.memory_space<hbm>>
      %dma_start3A_18 = tpu.memref_squeeze %dma_start3A_17 : memref<1x1024xf32, #tpu.memory_space<hbm>> -> memref<1024xf32, #tpu.memory_space<hbm>>
      %dma_start3A_19 = arith.constant 0 : i32
      %dma_start3A_20 = tpu.memref_slice %arg5[%add3A, %dma_start3A_19] : memref<32x1024xf32, #tpu.memory_space<hbm>> -> memref<1x1024xf32, #tpu.memory_space<hbm>>
      %dma_start3A_21 = tpu.memref_squeeze %dma_start3A_20 : memref<1x1024xf32, #tpu.memory_space<hbm>> -> memref<1024xf32, #tpu.memory_space<hbm>>
      tpu.enqueue_dma source(%arg11 : memref<1024xf32, #tpu.memory_space<vmem>>) target(%dma_start3A_21 : memref<1024xf32, #tpu.memory_space<hbm>>) target_semaphore(%run_scoped3A : memref<!tpu.dma_semaphore, #tpu.memory_space<semaphore_mem>>)
      %dma_wait3A = arith.constant 0 : i32
      %dma_wait3A_22 = tpu.memref_slice %arg5[%add3A, %dma_wait3A] : memref<32x1024xf32, #tpu.memory_space<hbm>> -> memref<1x1024xf32, #tpu.memory_space<hbm>>
      %dma_wait3A_23 = tpu.memref_squeeze %dma_wait3A_22 : memref<1x1024xf32, #tpu.memory_space<hbm>> -> memref<1024xf32, #tpu.memory_space<hbm>>
      %dma_wait3A_24 = arith.constant 0 : i32
      %dma_wait3A_25 = tpu.memref_slice %arg5[%add3A, %dma_wait3A_24] : memref<32x1024xf32, #tpu.memory_space<hbm>> -> memref<1x1024xf32, #tpu.memory_space<hbm>>
      %dma_wait3A_26 = tpu.memref_squeeze %dma_wait3A_25 : memref<1x1024xf32, #tpu.memory_space<hbm>> -> memref<1024xf32, #tpu.memory_space<hbm>>
      tpu.wait_dma2 semaphore(%run_scoped3A : memref<!tpu.dma_semaphore, #tpu.memory_space<semaphore_mem>>) src(%arg11 : memref<1024xf32, #tpu.memory_space<vmem>>) dst(%dma_wait3A_26 : memref<1024xf32, #tpu.memory_space<hbm>>)
      tpu.yield
    }) : () -> ()
    return
  }
}

module attributes {stable_mosaic.version = 14 : i64} {
  func.func @_dist_body(%arg0: i32, %arg1: memref<8192x128xf32, #tpu.memory_space<vmem>>, %arg2: memref<1024x128xf32, #tpu.memory_space<vmem>>, %arg3: memref<1024x1xf32, #tpu.memory_space<vmem>>, %arg4: memref<1x1x8192xf32, #tpu.memory_space<vmem>>, %arg5: memref<1x1x8192xi32, #tpu.memory_space<vmem>>, %arg6: memref<1x1x1xf32, #tpu.memory_space<smem>>) attributes {dimension_semantics = [#tpu.dimension_semantics<arbitrary>], iteration_bounds = array<i64: 8>, scalar_prefetch = 0 : i64, scratch_operands = 0 : i64, tpu.core_type = #tpu.core_type<tc>, window_params = [{transform_indices = @transform_0, window_bounds = array<i64: 8192, 128>}, {pipeline_mode = #tpu.pipeline_mode<synchronous>, transform_indices = @transform_1, window_bounds = array<i64: 1024, 128>}, {pipeline_mode = #tpu.pipeline_mode<synchronous>, transform_indices = @transform_2, window_bounds = array<i64: 1024, 1>}, {transform_indices = @transform_3, window_bounds = array<i64: 1, 1, 8192>}, {transform_indices = @transform_4, window_bounds = array<i64: 1, 1, 8192>}, {transform_indices = @transform_5, window_bounds = array<i64: 1, 1, 1>}]} {
    %get3A = arith.constant 0 : index
    %get3A_0 = arith.constant 0 : index
    %get3A_1 = vector.load %arg1[%get3A, %get3A_0] : memref<8192x128xf32, #tpu.memory_space<vmem>>, vector<8192x128xf32>
    %get3A_2 = arith.constant 0 : index
    %get3A_3 = arith.constant 0 : index
    %get3A_4 = vector.load %arg2[%get3A_2, %get3A_3] : memref<1024x128xf32, #tpu.memory_space<vmem>>, vector<1024x128xf32>
    %dot_general3A = arith.constant dense<0.000000e+00> : vector<1024x8192xf32>
    %dot_general3A_5 = tpu.matmul %get3A_4, %get3A_1, %dot_general3A {dimension_numbers = #tpu.dot_dimension_numbers<[1], [1], [0], [0], [0, 0, 1, 0], [], []>, transpose_lhs_hint = false} : vector<1024x128xf32>, vector<8192x128xf32>, vector<1024x8192xf32> -> vector<1024x8192xf32>
    %get3A_6 = arith.constant 0 : index
    %get3A_7 = arith.constant 0 : index
    %get3A_8 = arith.constant 0 : index
    %get3A_9 = vector.load %arg4[%get3A_6, %get3A_7, %get3A_8] : memref<1x1x8192xf32, #tpu.memory_space<vmem>>, vector<1x1x8192xf32>
    %get3A_10 = vector.shape_cast %get3A_9 : vector<1x1x8192xf32> to vector<1x8192xf32>
    %get3A_11 = arith.constant 0 : index
    %get3A_12 = arith.constant 0 : index
    %get3A_13 = vector.load %arg3[%get3A_11, %get3A_12] : memref<1024x1xf32, #tpu.memory_space<vmem>>, vector<1024x1xf32>
    %add3A = vector.broadcast %get3A_10 : vector<1x8192xf32> to vector<1024x8192xf32>
    %add3A_14 = vector.broadcast %get3A_13 : vector<1024x1xf32> to vector<1024x8192xf32>
    %add3A_15 = arith.addf %add3A, %add3A_14 : vector<1024x8192xf32>
    %add3A_16 = arith.addf %add3A_15, %dot_general3A_5 : vector<1024x8192xf32>
    %reduce_min3A = arith.constant dense<0x7F800000> : vector<8192xf32>
    %reduce_min3A_17 = vector.multi_reduction <minimumf>, %add3A_16, %reduce_min3A [0] : vector<1024x8192xf32> to vector<8192xf32>
    %broadcast_in_dim3A = vector.shape_cast %reduce_min3A_17 : vector<8192xf32> to vector<1x8192xf32>
    %iota3A = tpu.iota {dimensions = array<i32: 0>} : vector<1024x8192xi32>
    %le3A = vector.broadcast %broadcast_in_dim3A : vector<1x8192xf32> to vector<1024x8192xf32>
    %le3A_18 = arith.cmpf ole, %add3A_16, %le3A : vector<1024x8192xf32>
    %jit3A = arith.constant 1024 : i32
    %broadcast_in_dim3A_19 = vector.broadcast %jit3A : i32 to vector<1024x8192xi32>
    %select_n3A = arith.select %le3A_18, %iota3A, %broadcast_in_dim3A_19 : vector<1024x8192xi1>, vector<1024x8192xi32>
    %reduce_min3A_20 = arith.constant dense<2147483647> : vector<8192xi32>
    %reduce_min3A_21 = vector.multi_reduction <minsi>, %select_n3A, %reduce_min3A_20 [0] : vector<1024x8192xi32> to vector<8192xi32>
    %broadcast_in_dim3A_22 = vector.shape_cast %reduce_min3A_21 : vector<8192xi32> to vector<1x8192xi32>
    %swap3A = arith.constant 0 : index
    %swap3A_23 = arith.constant 0 : index
    %swap3A_24 = arith.constant 0 : index
    %swap3A_25 = vector.load %arg5[%swap3A, %swap3A_23, %swap3A_24] : memref<1x1x8192xi32, #tpu.memory_space<vmem>>, vector<1x1x8192xi32>
    %swap3A_26 = vector.shape_cast %swap3A_25 : vector<1x1x8192xi32> to vector<1x8192xi32>
    %swap3A_27 = vector.shape_cast %broadcast_in_dim3A_22 : vector<1x8192xi32> to vector<1x1x8192xi32>
    tpu.vector_store %arg5[%swap3A, %swap3A_23, %swap3A_24], %swap3A_27 {strides = array<i32>} : memref<1x1x8192xi32, #tpu.memory_space<vmem>>, vector<1x1x8192xi32>,
    %reduce_sum3A = vector.shape_cast %broadcast_in_dim3A : vector<1x8192xf32> to vector<1x1x8192xf32>
    %reduce_sum3A_28 = arith.constant dense<0.000000e+00> : vector<1xf32>
    %reduce_sum3A_29 = vector.multi_reduction <add>, %reduce_sum3A, %reduce_sum3A_28 [1, 2] : vector<1x1x8192xf32> to vector<1xf32>
    %reduce_sum3A_30 = vector.shape_cast %reduce_sum3A_29 : vector<1xf32> to vector<1x1x1xf32>
    %reduce_sum3A_31 = vector.extract %reduce_sum3A_30[0, 0, 0] : f32 from vector<1x1x1xf32>
    %swap3A_32 = arith.constant 0 : index
    %swap3A_33 = arith.constant 0 : index
    %swap3A_34 = arith.constant 0 : index
    %swap3A_35 = memref.load %arg6[%swap3A_32, %swap3A_33, %swap3A_34] : memref<1x1x1xf32, #tpu.memory_space<smem>>
    memref.store %reduce_sum3A_31, %arg6[%swap3A_32, %swap3A_33, %swap3A_34] : memref<1x1x1xf32, #tpu.memory_space<smem>>
    return
  }
  func.func @transform_0(%arg0: i32) -> (i32, i32) {
    %c0_i32 = arith.constant 0 : i32
    %c0_i32_0 = arith.constant 0 : i32
    return %arg0, %c0_i32 : i32, i32
  }
  func.func @transform_1(%arg0: i32) -> (i32, i32) {
    %c0_i32 = arith.constant 0 : i32
    %c0_i32_0 = arith.constant 0 : i32
    %c0_i32_1 = arith.constant 0 : i32
    return %c0_i32, %c0_i32_0 : i32, i32
  }
  func.func @transform_2(%arg0: i32) -> (i32, i32) {
    %c0_i32 = arith.constant 0 : i32
    %c0_i32_0 = arith.constant 0 : i32
    %c0_i32_1 = arith.constant 0 : i32
    return %c0_i32, %c0_i32_0 : i32, i32
  }
  func.func @transform_3(%arg0: i32) -> (i32, i32, i32) {
    %c0_i32 = arith.constant 0 : i32
    %c0_i32_0 = arith.constant 0 : i32
    %c0_i32_1 = arith.constant 0 : i32
    return %arg0, %c0_i32, %c0_i32_0 : i32, i32, i32
  }
  func.func @transform_4(%arg0: i32) -> (i32, i32, i32) {
    %c0_i32 = arith.constant 0 : i32
    %c0_i32_0 = arith.constant 0 : i32
    %c0_i32_1 = arith.constant 0 : i32
    return %arg0, %c0_i32, %c0_i32_0 : i32, i32, i32
  }
  func.func @transform_5(%arg0: i32) -> (i32, i32, i32) {
    %c0_i32 = arith.constant 0 : i32
    %c0_i32_0 = arith.constant 0 : i32
    %c0_i32_1 = arith.constant 0 : i32
    return %arg0, %c0_i32, %c0_i32_0 : i32, i32, i32
  }
}

</mosaic_0001>

<sc_bundles>
// kernel: kernel.6.cloned.1.call-start
scs
__scs_entry_jumppad:
0x0: {  	(pc) =	sbr.rel $0x88, $3  }
0x1: {  	(tag) =	ssettag $0x0;
	lr =	simm.s32 $0x1  }
0x2: {  	[smem:$0x3F9D] =	sst lr;
	_ =	strace $0xD0000000  }
0x3: {  	_ = 	snop  }
0x4: {  	_ = 	snop  }
0x5: {  	_ = 	snop  }
0x6: {  	_ = 	snop  }
0x7: {  	_ = 	snop  }
__scs_overlays_trampoline_lowered:
0x8: {  	[smem:$0x3FAC] =	sst s0  }
0x9: {  	[smem:$0x3FAD] =	sst s1  }
0xa: {  	[smem:$0x3FAE] =	sst s2  }
0xb: {  	[smem:$0x3FAF] =	sst s3  }
0xc: {  	[smem:$0x3FB0] =	sst s4  }
0xd: {  	[smem:$0x3FB1] =	sst s5  }
0xe: {  	[smem:$0x3FB2] =	sst s6  }
0xf: {  	[smem:$0x3FB3] =	sst s7  }
0x10: {  	[smem:$0x3FB4] =	sst s8  }
0x11: {  	[smem:$0x3FB5] =	sst s9;
	s0 =	simm.s32 @!p0 $0x0  }
0x12: {  	s1 =	sld [smem:$0x3F9B];
	s0 =	simm.s32 @p0 $0x1  }
0x13: {  	[smem:$0x3FB6] =	sst s0;
	s0 =	simm.s32 @!p1 $0x0  }
0x14: {  	s2 =	sld [smem:$0x3F9A];
	s0 =	simm.s32 @p1 $0x1  }
0x15: {  	[smem:$0x3FB7] =	sst s0;
	s0 =	simm.s32 @!p2 $0x0  }
0x16: {  	s3 =	sld [smem:$0x3FDB];
	s0 =	simm.s32 @p2 $0x1  }
0x17: {  	s4 =	simm.s32 $0x1BF5;
	[smem:$0x3FB9] =	sst s0  }
0x18: {  	s0 =	sld [smem:$0x3F9C];
	_ =	swait.ge [sflag:s4], $0x0  }
0x19: {  	s7 =	sld [smem:$0x3F9D]  }
0x1a: {  	s8 =	sadd.s32 $0xFFFFE003, lr  }
0x1b: {  	s9 =	sadd.s32 $0xFFFFFEF7, lr;
	s5 =	simm.s32 $0xFFFFFFFF;
	p2 =	slt.u32 s8, $0xFFFFF086  }
0x1c: {  	p1 =	slt.u32 s9, $0xF7A;
	s5 =	simm.s32 @!p2 $0x0  }
0x1d: {  	s5 =	simm.s32 @p1 $0x1;
	p0 =	seq.s32 s7, s2  }
0x1e: {  	s7 =	smul.u32 @!p0 $0xF7A, s2;
	p2 =	seq.s32 @!p0 s5, $0x0  }
0x1f: {  	s9 =	smul.u32 $0xF7A, s1;
	s8 =	simm.s32 @!p0 $0x1BF5;
	p2 =	por !p2, p0  }
0x20: {  	[sflag:s8] =	ssyncset.s32 @!p0 $0xFFFFF086;
	s6 =	sadd.s32 @!p0 s3, s7;
	s7 =	simm.s32 @!p0 $0x108  }
0x21: {  	s3 =	sadd.s32 s3, s9;
	s6 =	sadd.s32 @!p0 $0x88, s6;
	s7 =	simm.s32 @p2 $0x1082  }
0x22: {  	[simem:s7], [sflag:s8] =	dma.local @!p0 [hbm:s6], $0xF7A  }
0x23: {  	s9 =	sor.u32 $0xD0000000, s2;
	s6 =	simm.s32 $0x108;
	_ =	swait.ge @!p0 [sflag:s8], $0x0  }
0x24: {  	s3 =	sadd.s32 $0x88, s3;
	s6 =	simm.s32 @!p1 $0x1082;
	[sflag:s4] =	ssyncset.s32 $0xFFFFF086  }
0x25: {  	[simem:s6], [sflag:s4] =	dma.local [hbm:s3], $0xF7A  }
0x26: {  	[smem:$0x3F9D] =	sst s1;
	(tag) =	ssettag s2;
	_ =	strace s9  }
0x27: {  	s1 =	sld [smem:$0x3FAD]  }
0x28: {  	s2 =	sld [smem:$0x3FAE]  }
0x29: {  	s4 =	sld [smem:$0x3FB0]  }
0x2a: {  	p0 =	seq.s32 s5, $0x0;
	s5 =	sld [smem:$0x3FB1]  }
0x2b: {  	s6 =	sld [smem:$0x3FB2]  }
0x2c: {  	s7 =	sld [smem:$0x3FB3]  }
0x2d: {  	s3 =	simm.s32 $0x108;
	s8 =	sld [smem:$0x3FB4]  }
0x2e: {  	s3 =	simm.s32 @!p0 $0x1082;
	s9 =	sld [smem:$0x3FB5]  }
0x2f: {  	lr =	sadd.s32 s0, s3;
	s0 =	sld [smem:$0x3FAC]  }
0x30: {  	s3 =	sld [smem:$0x3FAF]  }
0x31: {  	[smem:$0x3FB8] =	sst s10  }
0x32: {  	s10 =	sld [smem:$0x3FB6];
	_ =	sdelay $0x3  }
0x33: {  	p0 =	seq.s32 s10, $0x1;
	s10 =	sld [smem:$0x3FB8];
	_ =	sdelay $0x3  }
0x34: {  	[smem:$0x3FB8] =	sst s10  }
0x35: {  	s10 =	sld [smem:$0x3FB7];
	_ =	sdelay $0x3  }
0x36: {  	p1 =	seq.s32 s10, $0x1;
	s10 =	sld [smem:$0x3FB8];
	_ =	sdelay $0x3  }
0x37: {  	[smem:$0x3FB8] =	sst s10  }
0x38: {  	s10 =	sld [smem:$0x3FB9]  }
0x39: {  	_ = 	snop;
	(pc) =	sbr.ind lr, $3  }
0x3a: {  	_ = 	snop  }
0x3b: {  	_ = 	snop  }
0x3c: {  	p2 =	seq.s32 s10, $0x1;
	s10 =	sld [smem:$0x3FB8]  }
0x3d: {  	_ =	shalt  }
0x3e: {  	_ =	shalt  }
0x3f: {  	_ =	shalt  }
0x40: {  	_ =	shalt  }
0x41: {  	_ =	shalt  }
0x42: {  	_ =	shalt  }
0x43: {  	_ =	shalt  }
0x44: {  	_ =	shalt  }
0x45: {  	_ =	shalt  }
0x46: {  	_ =	shalt  }
0x47: {  	_ =	shalt  }
0x48: {  	_ =	shalt  }
0x49: {  	_ =	shalt  }
0x4a: {  	_ =	shalt  }
0x4b: {  	_ =	shalt  }
0x4c: {  	_ =	shalt  }
0x4d: {  	_ =	shalt  }
0x4e: {  	_ =	shalt  }
0x4f: {  	_ =	shalt  }
0x50: {  	_ =	shalt  }
0x51: {  	_ =	shalt  }
0x52: {  	_ =	shalt  }
0x53: {  	_ =	shalt  }
0x54: {  	_ =	shalt  }
0x55: {  	_ =	shalt  }
0x56: {  	_ =	shalt  }
0x57: {  	_ =	shalt  }
0x58: {  	_ =	shalt  }
0x59: {  	_ =	shalt  }
0x5a: {  	_ =	shalt  }
0x5b: {  	_ =	shalt  }
0x5c: {  	_ =	shalt  }
0x5d: {  	_ =	shalt  }
0x5e: {  	_ =	shalt  }
0x5f: {  	_ =	shalt  }
0x60: {  	_ =	shalt  }
0x61: {  	_ =	shalt  }
0x62: {  	_ =	shalt  }
0x63: {  	_ =	shalt  }
0x64: {  	_ =	shalt  }
0x65: {  	_ =	shalt  }
0x66: {  	_ =	shalt  }
0x67: {  	_ =	shalt  }
0x68: {  	_ =	shalt  }
0x69: {  	_ =	shalt  }
0x6a: {  	_ =	shalt  }
0x6b: {  	_ =	shalt  }
0x6c: {  	_ =	shalt  }
0x6d: {  	_ =	shalt  }
0x6e: {  	_ =	shalt  }
0x6f: {  	_ =	shalt  }
0x70: {  	_ =	shalt  }
0x71: {  	_ =	shalt  }
0x72: {  	_ =	shalt  }
0x73: {  	_ =	shalt  }
0x74: {  	_ =	shalt  }
0x75: {  	_ =	shalt  }
0x76: {  	_ =	shalt  }
0x77: {  	_ =	shalt  }
0x78: {  	_ =	shalt  }
0x79: {  	_ =	shalt  }
0x7a: {  	_ =	shalt  }
0x7b: {  	_ =	shalt  }
0x7c: {  	_ =	shalt  }
0x7d: {  	_ =	shalt  }
0x7e: {  	_ =	shalt  }
0x7f: {  	_ =	shalt  }
0x80: {  	_ =	shalt  }
0x81: {  	_ =	shalt  }
0x82: {  	_ =	shalt  }
0x83: {  	_ =	shalt  }
0x84: {  	_ =	shalt  }
0x85: {  	_ =	shalt  }
0x86: {  	_ =	shalt  }
0x87: {  	_ =	shalt  }
.Lfunc_end0:
.L_simem_size_0:
called_computation_lowered:
.L_overlay_start_0:
0x88: {  	s2 =	sld [smem:$0x3FD9]  }
0x89: {  	s3 =	sld [smem:$0x3FFE];
	_ =	sdelay $0x1  }
0x8a: {  	s1 =	srdreg.scid  }
0x8b: {  	s0 =	sand.u32 $0x1, s1  }
0x8c: {  	s15 =	sshll.u32 s0, $0xA;
	s2 =	sadd.s32 s3, s2  }
0x8d: {  	s2 =	sadd.s32 s2, s15  }
0x8e: {  	[smem:$0x3FC4] =	sst s2  }
0x8f: {  	_ = 	snop  }
0x90: {  	s16 =	sld [smem:$0x3FD0];
	_ =	sdelay $0x2  }
0x91: {  	s4 =	simm.s32 $0xB;
	s5 =	simm.s32 $0x10;
	s2 =	sld [smem:$0x3FC7]  }
0x92: {  	[smem:s5], [sflag:s4] =	dma.local [hbm:s16], $0x1  }
0x93: {  	_ =	swait.eq [sflag:s4], $0x1  }
0x94: {  	[sflag:s4] =	ssyncset.done $0x0  }
0x95: {  	[sflag:s4] =	ssyncadd.s32 $0xFFFFFFFF  }
0x96: {  	s17 =	sld [smem:$0x10];
	(tm) =	ssettm $0x1  }
0x97: {  	s18 =	sld [smem:$0x3FFB];
	_ =	sdelay $0x3  }
0x98: {  	_ =	strace s18  }
0x99: {  	s3 =	sld [smem:$0x3FFC];
	_ =	sdelay $0x3  }
0x9a: {  	_ =	strace s3  }
0x9b: {  	s3 =	sld [smem:$0x3FFD];
	_ =	sdelay $0x3  }
0x9c: {  	_ =	strace s3  }
0x9d: {  	_ =	strace $0x8FFFFFFF  }
0x9e: {  	s19 =	sld [smem:$0x3FDB];
	_ =	sdelay $0x1  }
0x9f: {  	s20 =	simm.s32 $_scs_section_size  }
0xa0: {  	s6 =	simm.s32 $_size__tile_overlayer_lowered;
	s7 =	simm.s32 $_tile_overlayer_lowered  }
0xa1: {  	s8 =	simm.s32 $0x1BFF;
	s21 =	sshll.u32 s7, $0x1;
	s5 =	sadd.s32 s20, s19  }
0xa2: {  	s22 =	simm.s32 $0x0;
	s6 =	sshll.u32 s6, $0x1;
	s7 =	sadd.s32 s21, s5  }
0xa3: {  	[timem:s22], [sflag:s8] =	dma.local [hbm:s7], s6  }
0xa4: {  	_ =	swait.ge [sflag:s8], s6  }
0xa5: {  	s6 =	ssub.s32 $0x0, s6;
	[sflag:s8] =	ssyncset.done $0x0  }
0xa6: {  	[sflag:s8] =	ssyncadd.s32 s6;
	_ =	sdelay $0x1  }
0xa7: {  	s23 =	simm.s32 $0x1B8B  }
0xa8: {  	_ =	swait.ge [sflag:s23], $0x1  }
0xa9: {  	[sflag:s23] =	ssyncset.done $0x0  }
0xaa: {  	[sflag:s23] =	ssyncadd.s32 $0xFFFFFFFF  }
0xab: {  	s6 =	sld [smem:$0x0]  }
0xac: {  	s7 =	sand.u32 $0xFFFFFFFE, s1  }
0xad: {  	p0 =	sne.s32 s1, s7  }
0xae: {  	s7 =	sshll.u32 @p0 s7, $0xE  }
0xaf: {  	s7 =	sadd.s32 @p0 $0x11B8D, s7;
	s8 =	sshll.u32 @p0 s6, $0x11  }
0xb0: {  	s7 =	sor.u32 @p0 s8, s7  }
0xb1: {  	[sflag:s7] =	ssyncadd.remote.s32 @p0 $0x1;
	_ =	sdelay $0x1  }
0xb2: {  	s7 =	simm.s32 @p0 $0x1B8D  }
0xb3: {  	_ =	swait.eq @p0 [sflag:s7], $0x1  }
0xb4: {  	[sflag:s7] =	ssyncadd.s32 @p0 $0xFFFFFFFF  }
0xb5: {  	s8 =	sshll.u32 @!p0 s1, $0xE  }
0xb6: {  	s8 =	sor.u32 @!p0 $0x4000, s8;
	s7 =	simm.s32 @!p0 $0x1B8D  }
0xb7: {  	s6 =	sshll.u32 @!p0 s6, $0x11;
	s8 =	sadd.s32 @!p0 $0x11B8D, s8;
	_ =	swait.eq @!p0 [sflag:s7], $0x1  }
0xb8: {  	s6 =	sor.u32 @!p0 s6, s8;
	[sflag:s7] =	ssyncadd.s32 @!p0 $0xFFFFFFFF  }
0xb9: {  	s25 =	simm.s32 $0x1B8E;
	s24 =	sld [smem:$0x3FFE];
	[sflag:s6] =	ssyncadd.remote.s32 @!p0 $0x1  }
0xba: {  	s26 =	simm.s32 $execute0_lowered;
	[smem:$0x3FD2] =	sst s25  }
0xbb: {  	s7 =	sshll.u32 s26, $0x1;
	_ =	strace $0x80000049;
	[dreg:$0x1] =	wrdreg $0xFFFFFFFF  }
0xbc: {  	s28 =	simm.s32 $_size_execute0_lowered;
	s5 =	sadd.s32 s5, s7;
	[dreg:$0x0] =	wrdreg $0x0  }
0xbd: {  	s7 =	sshll.u32 s28, $0x1;
	[dreg:$0x2] =	wrdreg s5  }
0xbe: {  	[dreg:$0x3] =	wrdreg s7  }
0xbf: {  	[dreg:$0x4] =	wrdreg $0xC0  }
0xc0: {  	_ =	task [dreg:s22], $0x5FFFF  }
0xc1: {  	[dreg:$0x1] =	wrdreg $0xFFFFFFFF  }
0xc2: {  	[dreg:$0x0] =	wrdreg $0x60  }
0xc3: {  	[dreg:$0x2] =	wrdreg s2  }
0xc4: {  	[dreg:$0x3] =	wrdreg s24  }
0xc5: {  	[dreg:$0x4] =	wrdreg s17  }
0xc6: {  	[dreg:$0x5] =	wrdreg $0x9  }
0xc7: {  	_ =	task.clear_ibuf [dreg:s22], $0x6FFFF;
	_ =	strace $0x90000049  }
0xc8: {  	s29 =	simm.s32 $0x9;
	_ =	strace $0x8000004B  }
0xc9: {  	_ =	swait.ge [sflag:s29], $0x1  }
0xca: {  	[sflag:s29] =	ssyncadd.s32 $0xFFFFFFFF  }
0xcb: {  	_ =	strace $0x9000004B  }
0xcc: {  	_ =	sfence  }
0xcd: {  	s30 =	sld [smem:$0x0];
	_ =	sdelay $0x2  }
0xce: {  	s31 =	sshll.u32 s1, $0xD;
	s1 =	sshrl.u32 s1, $0x2  }
0xcf: {  	s4 =	sand.u32 $0x4000, s31;
	s1 =	sadd.s32 s1, s30  }
0xd0: {  	s0 =	sor.u32 s4, s0;
	s1 =	sshll.u32 s1, $0x11  }
0xd1: {  	s0 =	sor.u32 s1, s0  }
0xd2: {  	s0 =	sadd.s32 $0x8F2B, s0  }
0xd3: {  	[sflag:s0] =	ssyncadd.remote.s32 $0x1  }
0xd4: {  	_ =	sfence.sel $0xFFFF  }
0xd5: {  	[dreg:$0x0] =	wrdreg $0xFFFFFFFF;
	(pc) =	sbr.abs _section_cstart, $3  }
0xd6: {  	[dreg:$0x1] =	wrdreg $0xFFFFFFFF  }
0xd7: {  	_ =	task.clear_ibuf [dreg:s22], $0x2FFFF;
	_ =	strace $0x9FFFFFFF  }
0xd8: {  	(tm) =	ssettm $0x7FFFFFFF  }
0xd9: {  	_ =	shalt  }
tec
execute0_lowered:
.L_overlay_start_1:
0x0: {  	(tag) =	ssettag $0x1  }
0x1: {  	s1 =	rddreg [dreg:$0x0]  }
0x2: {  	s4 =	rddreg [dreg:$0x1]  }
0x3: {  	s6 =	rddreg [dreg:$0x2]  }
0x4: {  	s0 =	rddreg [dreg:$0x3]  }
0x5: {  	s5 =	srdreg.scid;
	s2 =	stileid.u32;
	s3 =	simm.s32 $0x0  }
0x6: {  	s12 =	simm.s32 $0x8800;
	s13 =	simm.s32 $0xC800;
	s14 =	simm.s32 $0x10800  }
0x7: {  	s15 =	simm.s32 $0x1;
	s16 =	simm.s32 $0x2;
	s17 =	simm.s32 $0x3  }
0x8: {  	s18 =	simm.s32 $0x4;
	s19 =	simm.s32 $0x400;
	s20 =	simm.s32 $0x0  }
0x9: {  	s7 =	sand.u32 $0x1, s5;
	s30 =	sshll.u32 s2, $0x1;
	[smem:$0x7FF] =	sst s3  }
0xa: {  	s9 =	sshll.u32 s2, $0x8;
	s31 =	sshll.u32 s2, $0x10;
	s5 =	sor.u32 s7, s30  }
0xb: {  	_ =	strace $0x8000004A;
	s10 =	ssub.s32 $0x2, s7;
	s9 =	sand.u32 $0xC00, s9  }
0xc: {  	s7 =	sshll.u32 s7, $0xF;
	s8 =	sshll.u32 s5, $0x8;
	s11 =	sshrl.u32 s10, $0x1  }
0xd: {  	s5 =	sshll.u32 s5, $0x4;
	s9 =	sadd.s32 s9, s4;
	s8 =	sadd.s32 s8, s4  }
0xe: {  	s10 =	ssub.s32 s10, s11;
	s5 =	sand.u32 $0x70, s5;
	s11 =	simm.s32 $0x4800  }
0xf: {  	s4 =	sadd.s32 $0x3000, s8;
	s5 =	sadd.s32 s5, s9;
	s8 =	sadd.s32 s31, s6  }
0x10: {  	s6 =	smax.u32 s10, $0x1;
	s9 =	simm.s32 $0x80;
	s10 =	simm.s32 $0x800  }
0x11: {  	v0 =	vimm.f32 $0.0e+00;
	v1 =	vimm.f32 $1.000000000e+00;
	s5 =	sadd.s32 $0x5000, s5;
	s7 =	sadd.s32 s7, s8;
	s8 =	simm.s32 $0x5  }
.LBB2_1:
0x12: {  	[tilespmem:s3], [sflag:$0x5] =	stream.linear.gather [hbm4b:s4+s3], $0x800, $0x38;
	[tilespmem:$0x10C00] =	vst v63  }
0x13: {  	_ =	swait.ge [sflag:s8], $0x800  }
0x14: {  	[sflag:s8] =	ssyncset.done $0x0  }
0x15: {  	s21 =	simm.s32 $0x0;
	[sflag:s8] =	ssyncadd.s32 $0xFFFFF800  }
.LBB2_2:
0x16: {  	p0 =	sne.s32 s21, $0xFC0  }
.Ltmp0:
0x17: {  	_ = 	snop;
	(pc) =	sbr.rel @p0 .LBB2_2-.Ltmp0, $3  }
0x18: {  	_ =	sdelay $0x1  }
0x19: {  	s22 =	sshra.s32 s21, $0x2  }
0x1a: {  	s21 =	sadd.s32 $0x40, s21;
	[tilespmem:s22+$0x10800] =	vst v0  }
0x1b: {  	s21 =	simm.s32 $0x0;
	s22 =	smov.u32 s7  }
.LBB2_4:
0x1c: {  	s23 =	sshra.s32 s21, $0x2  }
0x1d: {  	[tilespmem:s10], [sflag:$0x1] =	stream.indirect.gather [hbm4b:s1+s9], $0x80, s23, s9, $0xb8;
	[tilespmem:$0x10C00] =	vst v63  }
0x1e: {  	s24 =	sadd.s32 $0x80, s23  }
0x1f: {  	[tilespmem:s11], [sflag:$0x2] =	stream.indirect.gather [hbm4b:s1+s9], $0x80, s24, s9, $0xb8;
	[tilespmem:$0x10C00] =	vst v63  }
0x20: {  	s26 =	sadd.s32 $0x100, s23  }
0x21: {  	[tilespmem:s12], [sflag:$0x3] =	stream.indirect.gather [hbm4b:s1+s9], $0x80, s26, s9, $0xb8;
	[tilespmem:$0x10C00] =	vst v63  }
0x22: {  	s28 =	sadd.s32 $0x180, s23  }
0x23: {  	[tilespmem:s13], [sflag:$0x4] =	stream.indirect.gather [hbm4b:s1+s9], $0x80, s28, s9, $0xb8;
	[tilespmem:$0x10C00] =	vst v63  }
0x24: {  	v2 =	vld [tilespmem:s23+$0x0];
	_ =	sdelay $0x7  }
0x25: {  	[tilespmem:v2+s14+$0x0] =	vst.idx.add.f32.msk $0xffff, v1  }
0x26: {  	v2 =	vld [tilespmem:s23+$0x10];
	_ =	sdelay $0x7  }
0x27: {  	[tilespmem:v2+s14+$0x0] =	vst.idx.add.f32.msk $0xffff, v1  }
0x28: {  	v2 =	vld [tilespmem:s23+$0x20];
	_ =	sdelay $0x7  }
0x29: {  	[tilespmem:v2+s14+$0x0] =	vst.idx.add.f32.msk $0xffff, v1  }
0x2a: {  	v2 =	vld [tilespmem:s23+$0x30];
	_ =	sdelay $0x7  }
0x2b: {  	[tilespmem:v2+s14+$0x0] =	vst.idx.add.f32.msk $0xffff, v1  }
0x2c: {  	v2 =	vld [tilespmem:s23+$0x40];
	_ =	sdelay $0x7  }
0x2d: {  	[tilespmem:v2+s14+$0x0] =	vst.idx.add.f32.msk $0xffff, v1  }
0x2e: {  	v2 =	vld [tilespmem:s23+$0x50];
	_ =	sdelay $0x7  }
0x2f: {  	[tilespmem:v2+s14+$0x0] =	vst.idx.add.f32.msk $0xffff, v1  }
0x30: {  	v2 =	vld [tilespmem:s23+$0x60];
	_ =	sdelay $0x7  }
0x31: {  	[tilespmem:v2+s14+$0x0] =	vst.idx.add.f32.msk $0xffff, v1  }
0x32: {  	v2 =	vld [tilespmem:s23+$0x70];
	_ =	sdelay $0x7  }
0x33: {  	[tilespmem:v2+s14+$0x0] =	vst.idx.add.f32.msk $0xffff, v1  }
0x34: {  	v2 =	vld [tilespmem:s23+$0x80];
	_ =	sdelay $0x7  }
0x35: {  	[tilespmem:v2+s14+$0x0] =	vst.idx.add.f32.msk $0xffff, v1  }
0x36: {  	v2 =	vld [tilespmem:s23+$0x90];
	_ =	sdelay $0x7  }
0x37: {  	[tilespmem:v2+s14+$0x0] =	vst.idx.add.f32.msk $0xffff, v1  }
0x38: {  	v2 =	vld [tilespmem:s23+$0xA0];
	_ =	sdelay $0x7  }
0x39: {  	[tilespmem:v2+s14+$0x0] =	vst.idx.add.f32.msk $0xffff, v1  }
0x3a: {  	v2 =	vld [tilespmem:s23+$0xB0];
	_ =	sdelay $0x7  }
0x3b: {  	[tilespmem:v2+s14+$0x0] =	vst.idx.add.f32.msk $0xffff, v1  }
0x3c: {  	v2 =	vld [tilespmem:s23+$0xC0];
	_ =	sdelay $0x7  }
0x3d: {  	[tilespmem:v2+s14+$0x0] =	vst.idx.add.f32.msk $0xffff, v1  }
0x3e: {  	v2 =	vld [tilespmem:s23+$0xD0];
	_ =	sdelay $0x7  }
0x3f: {  	[tilespmem:v2+s14+$0x0] =	vst.idx.add.f32.msk $0xffff, v1  }
0x40: {  	v2 =	vld [tilespmem:s23+$0xE0];
	_ =	sdelay $0x7  }
0x41: {  	[tilespmem:v2+s14+$0x0] =	vst.idx.add.f32.msk $0xffff, v1  }
0x42: {  	v2 =	vld [tilespmem:s23+$0xF0];
	_ =	sdelay $0x7  }
0x43: {  	[tilespmem:v2+s14+$0x0] =	vst.idx.add.f32.msk $0xffff, v1  }
0x44: {  	v2 =	vld [tilespmem:s23+$0x100];
	_ =	sdelay $0x7  }
0x45: {  	[tilespmem:v2+s14+$0x0] =	vst.idx.add.f32.msk $0xffff, v1  }
0x46: {  	v2 =	vld [tilespmem:s23+$0x110];
	_ =	sdelay $0x7  }
0x47: {  	[tilespmem:v2+s14+$0x0] =	vst.idx.add.f32.msk $0xffff, v1  }
0x48: {  	v2 =	vld [tilespmem:s23+$0x120];
	_ =	sdelay $0x7  }
0x49: {  	[tilespmem:v2+s14+$0x0] =	vst.idx.add.f32.msk $0xffff, v1  }
0x4a: {  	v2 =	vld [tilespmem:s23+$0x130];
	_ =	sdelay $0x7  }
0x4b: {  	[tilespmem:v2+s14+$0x0] =	vst.idx.add.f32.msk $0xffff, v1  }
0x4c: {  	v2 =	vld [tilespmem:s23+$0x140];
	_ =	sdelay $0x7  }
0x4d: {  	[tilespmem:v2+s14+$0x0] =	vst.idx.add.f32.msk $0xffff, v1  }
0x4e: {  	v2 =	vld [tilespmem:s23+$0x150];
	_ =	sdelay $0x7  }
0x4f: {  	[tilespmem:v2+s14+$0x0] =	vst.idx.add.f32.msk $0xffff, v1  }
0x50: {  	v2 =	vld [tilespmem:s23+$0x160];
	_ =	sdelay $0x7  }
0x51: {  	[tilespmem:v2+s14+$0x0] =	vst.idx.add.f32.msk $0xffff, v1  }
0x52: {  	v2 =	vld [tilespmem:s23+$0x170];
	_ =	sdelay $0x7  }
0x53: {  	[tilespmem:v2+s14+$0x0] =	vst.idx.add.f32.msk $0xffff, v1  }
0x54: {  	v2 =	vld [tilespmem:s23+$0x180];
	_ =	sdelay $0x7  }
0x55: {  	[tilespmem:v2+s14+$0x0] =	vst.idx.add.f32.msk $0xffff, v1  }
0x56: {  	v2 =	vld [tilespmem:s23+$0x190];
	_ =	sdelay $0x7  }
0x57: {  	[tilespmem:v2+s14+$0x0] =	vst.idx.add.f32.msk $0xffff, v1  }
0x58: {  	v2 =	vld [tilespmem:s23+$0x1A0];
	_ =	sdelay $0x7  }
0x59: {  	[tilespmem:v2+s14+$0x0] =	vst.idx.add.f32.msk $0xffff, v1  }
0x5a: {  	v2 =	vld [tilespmem:s23+$0x1B0];
	_ =	sdelay $0x7  }
0x5b: {  	[tilespmem:v2+s14+$0x0] =	vst.idx.add.f32.msk $0xffff, v1  }
0x5c: {  	v2 =	vld [tilespmem:s23+$0x1C0];
	_ =	sdelay $0x7  }
0x5d: {  	[tilespmem:v2+s14+$0x0] =	vst.idx.add.f32.msk $0xffff, v1  }
0x5e: {  	v2 =	vld [tilespmem:s23+$0x1D0];
	_ =	sdelay $0x7  }
0x5f: {  	[tilespmem:v2+s14+$0x0] =	vst.idx.add.f32.msk $0xffff, v1  }
0x60: {  	v2 =	vld [tilespmem:s23+$0x1E0];
	_ =	sdelay $0x7  }
0x61: {  	[tilespmem:v2+s14+$0x0] =	vst.idx.add.f32.msk $0xffff, v1  }
0x62: {  	v2 =	vld [tilespmem:s23+$0x1F0];
	_ =	sdelay $0x7  }
0x63: {  	[tilespmem:v2+s14+$0x0] =	vst.idx.add.f32.msk $0xffff, v1  }
0x64: {  	_ =	swait.ge [sflag:s15], $0x4000  }
0x65: {  	[sflag:s15] =	ssyncset.done $0x0  }
0x66: {  	[sflag:s15] =	ssyncadd.s32 $0xFFFFC000  }
0x67: {  	[hbm4b:s22+s3] =	stream.linear.scatter [tilespmem:s10], [sflag:$0x5], $0x4000, $0x38;
	[tilespmem:$0x10C00] =	vst v63  }
0x68: {  	_ =	swait.ge [sflag:s8], $0x4000  }
0x69: {  	[sflag:s8] =	ssyncset.done $0x0  }
0x6a: {  	[sflag:s8] =	ssyncadd.s32 $0xFFFFC000  }
0x6b: {  	_ =	swait.ge [sflag:s16], $0x4000  }
0x6c: {  	[sflag:s16] =	ssyncset.done $0x0  }
0x6d: {  	s29 =	sadd.s32 $0x800, s22;
	[sflag:s16] =	ssyncadd.s32 $0xFFFFC000  }
0x6e: {  	[hbm4b:s29+s3] =	stream.linear.scatter [tilespmem:s11], [sflag:$0x5], $0x4000, $0x38;
	[tilespmem:$0x10C00] =	vst v63  }
0x6f: {  	_ =	swait.ge [sflag:s8], $0x4000  }
0x70: {  	[sflag:s8] =	ssyncset.done $0x0  }
0x71: {  	[sflag:s8] =	ssyncadd.s32 $0xFFFFC000  }
0x72: {  	_ =	swait.ge [sflag:s17], $0x4000  }
0x73: {  	[sflag:s17] =	ssyncset.done $0x0  }
0x74: {  	s30 =	sadd.s32 $0x1000, s22;
	[sflag:s17] =	ssyncadd.s32 $0xFFFFC000  }
0x75: {  	[hbm4b:s30+s3] =	stream.linear.scatter [tilespmem:s12], [sflag:$0x5], $0x4000, $0x38;
	[tilespmem:$0x10C00] =	vst v63  }
0x76: {  	_ =	swait.ge [sflag:s8], $0x4000  }
0x77: {  	[sflag:s8] =	ssyncset.done $0x0  }
0x78: {  	[sflag:s8] =	ssyncadd.s32 $0xFFFFC000  }
0x79: {  	_ =	swait.ge [sflag:s18], $0x4000  }
0x7a: {  	p0 =	sne.s32 s21, $0x1800;
	[sflag:s18] =	ssyncset.done $0x0  }
.Ltmp1:
0x7b: {  	s31 =	sadd.s32 $0x1800, s22;
	[sflag:s18] =	ssyncadd.s32 $0xFFFFC000;
	(pc) =	sbr.rel @p0 .LBB2_4-.Ltmp1, $4  }
0x7c: {  	[hbm4b:s31+s3] =	stream.linear.scatter [tilespmem:s13], [sflag:$0x5], $0x4000, $0x38;
	[tilespmem:$0x10C00] =	vst v63  }
0x7d: {  	_ =	swait.ge [sflag:s8], $0x4000  }
0x7e: {  	[sflag:s8] =	ssyncset.done $0x0  }
0x7f: {  	s21 =	sadd.s32 $0x800, s21;
	s22 =	sadd.s32 $0x2000, s22;
	[sflag:s8] =	ssyncadd.s32 $0xFFFFC000  }
0x80: {  	s20 =	sadd.s32 $0x1, s20  }
0x81: {  	p0 =	sne.s32 s20, s6  }
.Ltmp2:
0x82: {  	_ = 	snop;
	(pc) =	sbr.rel @p0 .LBB2_1-.Ltmp2, $4  }
0x83: {  	[hbm4b:s5+s9] =	stream.strided.scatter [tilespmem:s14], [sflag:$0x5], $0x400, s19, s9, $0x38;
	[tilespmem:$0x10C00] =	vst v63  }
0x84: {  	_ =	swait.ge [sflag:s8], $0x400  }
0x85: {  	[sflag:s8] =	ssyncset.done $0x0  }
0x86: {  	[sflag:s8] =	ssyncadd.s32 $0xFFFFFC00  }
0x87: {  	_ =	sfence.sel $0x180000  }
0x88: {  	[bflag:$0x0] =	sbarrier.arrive $0xFFFF  }
0x89: {  	p0 =	sne.s32 s2, $0x0;
	_ =	strace $0x9000004A  }
0x8a: {  	s0 =	sadd.s32 @!p0 $0x100000, s0;
	[bflag:$0x2] =	sbarrier.arrive $0xFFFF  }
0x8b: {  	[sflag:s0] =	ssyncadd.tile.s32 @!p0 $0x1;
	_ =	shalt  }
.Lfunc_end2:
_tile_overlayer_lowered:
.L_overlay_start_2:
0x8c: {  	(tag) =	ssettag $0x2  }
0x8d: {  	s0 =	rddreg [dreg:$0x0];
	s2 =	stileid.u32  }
0x8e: {  	s1 =	rddreg [dreg:$0x1];
	p0 =	sne.s32 s2, $0x0  }
0x8f: {  	s3 =	rddreg [dreg:$0x2];
	[bflag:$0x3] =	sbarrier.arrive $0xFFFF;
	s2 =	simm.s32 @!p0 $0x1C05  }
0x90: {  	[timem:s3], [sflag:s2] =	dma.local @!p0 [hbm:s0], s1  }
0x91: {  	s0 =	simm.s32 @!p0 $0x5  }
0x92: {  	_ =	swait.ge @!p0 [sflag:s0], s1  }
0x93: {  	s1 =	ssub.s32 @!p0 $0x0, s1;
	[sflag:s0] =	ssyncset.done @!p0 $0x0  }
0x94: {  	[sflag:s0] =	ssyncadd.s32 @!p0 s1  }
0x95: {  	[bflag:$0x3] =	sbarrier.arrive $0xFFFF  }
0x96: {  	_ =	shalt  }

// kernel: kernel.9.cloned.1.call-start
scs
__scs_entry_jumppad:
0x0: {  	(pc) =	sbr.rel $0x88, $3  }
0x1: {  	(tag) =	ssettag $0x0;
	lr =	simm.s32 $0x1  }
0x2: {  	[smem:$0x3F9D] =	sst lr;
	_ =	strace $0xD0000000  }
0x3: {  	_ = 	snop  }
0x4: {  	_ = 	snop  }
0x5: {  	_ = 	snop  }
0x6: {  	_ = 	snop  }
0x7: {  	_ = 	snop  }
__scs_overlays_trampoline_lowered:
0x8: {  	[smem:$0x3FAC] =	sst s0  }
0x9: {  	[smem:$0x3FAD] =	sst s1  }
0xa: {  	[smem:$0x3FAE] =	sst s2  }
0xb: {  	[smem:$0x3FAF] =	sst s3  }
0xc: {  	[smem:$0x3FB0] =	sst s4  }
0xd: {  	[smem:$0x3FB1] =	sst s5  }
0xe: {  	[smem:$0x3FB2] =	sst s6  }
0xf: {  	[smem:$0x3FB3] =	sst s7  }
0x10: {  	[smem:$0x3FB4] =	sst s8  }
0x11: {  	[smem:$0x3FB5] =	sst s9;
	s0 =	simm.s32 @!p0 $0x0  }
0x12: {  	s1 =	sld [smem:$0x3F9B];
	s0 =	simm.s32 @p0 $0x1  }
0x13: {  	[smem:$0x3FB6] =	sst s0;
	s0 =	simm.s32 @!p1 $0x0  }
0x14: {  	s2 =	sld [smem:$0x3F9A];
	s0 =	simm.s32 @p1 $0x1  }
0x15: {  	[smem:$0x3FB7] =	sst s0;
	s0 =	simm.s32 @!p2 $0x0  }
0x16: {  	s3 =	sld [smem:$0x3FDB];
	s0 =	simm.s32 @p2 $0x1  }
0x17: {  	s4 =	simm.s32 $0x1BF5;
	[smem:$0x3FB9] =	sst s0  }
0x18: {  	s0 =	sld [smem:$0x3F9C];
	_ =	swait.ge [sflag:s4], $0x0  }
0x19: {  	s7 =	sld [smem:$0x3F9D]  }
0x1a: {  	s8 =	sadd.s32 $0xFFFFE003, lr  }
0x1b: {  	s9 =	sadd.s32 $0xFFFFFEF7, lr;
	s5 =	simm.s32 $0xFFFFFFFF;
	p2 =	slt.u32 s8, $0xFFFFF086  }
0x1c: {  	p1 =	slt.u32 s9, $0xF7A;
	s5 =	simm.s32 @!p2 $0x0  }
0x1d: {  	s5 =	simm.s32 @p1 $0x1;
	p0 =	seq.s32 s7, s2  }
0x1e: {  	s7 =	smul.u32 @!p0 $0xF7A, s2;
	p2 =	seq.s32 @!p0 s5, $0x0  }
0x1f: {  	s9 =	smul.u32 $0xF7A, s1;
	s8 =	simm.s32 @!p0 $0x1BF5;
	p2 =	por !p2, p0  }
0x20: {  	[sflag:s8] =	ssyncset.s32 @!p0 $0xFFFFF086;
	s6 =	sadd.s32 @!p0 s3, s7;
	s7 =	simm.s32 @!p0 $0x108  }
0x21: {  	s3 =	sadd.s32 s3, s9;
	s6 =	sadd.s32 @!p0 $0x88, s6;
	s7 =	simm.s32 @p2 $0x1082  }
0x22: {  	[simem:s7], [sflag:s8] =	dma.local @!p0 [hbm:s6], $0xF7A  }
0x23: {  	s9 =	sor.u32 $0xD0000000, s2;
	s6 =	simm.s32 $0x108;
	_ =	swait.ge @!p0 [sflag:s8], $0x0  }
0x24: {  	s3 =	sadd.s32 $0x88, s3;
	s6 =	simm.s32 @!p1 $0x1082;
	[sflag:s4] =	ssyncset.s32 $0xFFFFF086  }
0x25: {  	[simem:s6], [sflag:s4] =	dma.local [hbm:s3], $0xF7A  }
0x26: {  	[smem:$0x3F9D] =	sst s1;
	(tag) =	ssettag s2;
	_ =	strace s9  }
0x27: {  	s1 =	sld [smem:$0x3FAD]  }
0x28: {  	s2 =	sld [smem:$0x3FAE]  }
0x29: {  	s4 =	sld [smem:$0x3FB0]  }
0x2a: {  	p0 =	seq.s32 s5, $0x0;
	s5 =	sld [smem:$0x3FB1]  }
0x2b: {  	s6 =	sld [smem:$0x3FB2]  }
0x2c: {  	s7 =	sld [smem:$0x3FB3]  }
0x2d: {  	s3 =	simm.s32 $0x108;
	s8 =	sld [smem:$0x3FB4]  }
0x2e: {  	s3 =	simm.s32 @!p0 $0x1082;
	s9 =	sld [smem:$0x3FB5]  }
0x2f: {  	lr =	sadd.s32 s0, s3;
	s0 =	sld [smem:$0x3FAC]  }
0x30: {  	s3 =	sld [smem:$0x3FAF]  }
0x31: {  	[smem:$0x3FB8] =	sst s10  }
0x32: {  	s10 =	sld [smem:$0x3FB6];
	_ =	sdelay $0x3  }
0x33: {  	p0 =	seq.s32 s10, $0x1;
	s10 =	sld [smem:$0x3FB8];
	_ =	sdelay $0x3  }
0x34: {  	[smem:$0x3FB8] =	sst s10  }
0x35: {  	s10 =	sld [smem:$0x3FB7];
	_ =	sdelay $0x3  }
0x36: {  	p1 =	seq.s32 s10, $0x1;
	s10 =	sld [smem:$0x3FB8];
	_ =	sdelay $0x3  }
0x37: {  	[smem:$0x3FB8] =	sst s10  }
0x38: {  	s10 =	sld [smem:$0x3FB9]  }
0x39: {  	_ = 	snop;
	(pc) =	sbr.ind lr, $3  }
0x3a: {  	_ = 	snop  }
0x3b: {  	_ = 	snop  }
0x3c: {  	p2 =	seq.s32 s10, $0x1;
	s10 =	sld [smem:$0x3FB8]  }
0x3d: {  	_ =	shalt  }
0x3e: {  	_ =	shalt  }
0x3f: {  	_ =	shalt  }
0x40: {  	_ =	shalt  }
0x41: {  	_ =	shalt  }
0x42: {  	_ =	shalt  }
0x43: {  	_ =	shalt  }
0x44: {  	_ =	shalt  }
0x45: {  	_ =	shalt  }
0x46: {  	_ =	shalt  }
0x47: {  	_ =	shalt  }
0x48: {  	_ =	shalt  }
0x49: {  	_ =	shalt  }
0x4a: {  	_ =	shalt  }
0x4b: {  	_ =	shalt  }
0x4c: {  	_ =	shalt  }
0x4d: {  	_ =	shalt  }
0x4e: {  	_ =	shalt  }
0x4f: {  	_ =	shalt  }
0x50: {  	_ =	shalt  }
0x51: {  	_ =	shalt  }
0x52: {  	_ =	shalt  }
0x53: {  	_ =	shalt  }
0x54: {  	_ =	shalt  }
0x55: {  	_ =	shalt  }
0x56: {  	_ =	shalt  }
0x57: {  	_ =	shalt  }
0x58: {  	_ =	shalt  }
0x59: {  	_ =	shalt  }
0x5a: {  	_ =	shalt  }
0x5b: {  	_ =	shalt  }
0x5c: {  	_ =	shalt  }
0x5d: {  	_ =	shalt  }
0x5e: {  	_ =	shalt  }
0x5f: {  	_ =	shalt  }
0x60: {  	_ =	shalt  }
0x61: {  	_ =	shalt  }
0x62: {  	_ =	shalt  }
0x63: {  	_ =	shalt  }
0x64: {  	_ =	shalt  }
0x65: {  	_ =	shalt  }
0x66: {  	_ =	shalt  }
0x67: {  	_ =	shalt  }
0x68: {  	_ =	shalt  }
0x69: {  	_ =	shalt  }
0x6a: {  	_ =	shalt  }
0x6b: {  	_ =	shalt  }
0x6c: {  	_ =	shalt  }
0x6d: {  	_ =	shalt  }
0x6e: {  	_ =	shalt  }
0x6f: {  	_ =	shalt  }
0x70: {  	_ =	shalt  }
0x71: {  	_ =	shalt  }
0x72: {  	_ =	shalt  }
0x73: {  	_ =	shalt  }
0x74: {  	_ =	shalt  }
0x75: {  	_ =	shalt  }
0x76: {  	_ =	shalt  }
0x77: {  	_ =	shalt  }
0x78: {  	_ =	shalt  }
0x79: {  	_ =	shalt  }
0x7a: {  	_ =	shalt  }
0x7b: {  	_ =	shalt  }
0x7c: {  	_ =	shalt  }
0x7d: {  	_ =	shalt  }
0x7e: {  	_ =	shalt  }
0x7f: {  	_ =	shalt  }
0x80: {  	_ =	shalt  }
0x81: {  	_ =	shalt  }
0x82: {  	_ =	shalt  }
0x83: {  	_ =	shalt  }
0x84: {  	_ =	shalt  }
0x85: {  	_ =	shalt  }
0x86: {  	_ =	shalt  }
0x87: {  	_ =	shalt  }
.Lfunc_end0:
.L_simem_size_0:
called_computation.1_lowered:
.L_overlay_start_0:
0x88: {  	s2 =	sld [smem:$0x3FD9]  }
0x89: {  	s3 =	sld [smem:$0x3FFE];
	_ =	sdelay $0x1  }
0x8a: {  	s1 =	srdreg.scid  }
0x8b: {  	s0 =	sand.u32 $0x1, s1  }
0x8c: {  	s14 =	sshll.u32 s0, $0xA;
	s2 =	sadd.s32 s3, s2  }
0x8d: {  	s2 =	sadd.s32 s2, s14  }
0x8e: {  	[smem:$0x3FC4] =	sst s2  }
0x8f: {  	_ = 	snop  }
0x90: {  	s2 =	sld [smem:$0x3FD0];
	_ =	sdelay $0x2  }
0x91: {  	s4 =	simm.s32 $0xB;
	s5 =	simm.s32 $0x10;
	s15 =	sld [smem:$0x3FC6]  }
0x92: {  	[smem:s5], [sflag:s4] =	dma.local [hbm:s2], $0x1  }
0x93: {  	_ =	swait.eq [sflag:s4], $0x1  }
0x94: {  	[sflag:s4] =	ssyncset.done $0x0  }
0x95: {  	[sflag:s4] =	ssyncadd.s32 $0xFFFFFFFF  }
0x96: {  	s16 =	sld [smem:$0x11];
	(tm) =	ssettm $0x1  }
0x97: {  	s17 =	sld [smem:$0x3FFB];
	_ =	sdelay $0x3  }
0x98: {  	_ =	strace s17  }
0x99: {  	s4 =	sld [smem:$0x3FFC];
	_ =	sdelay $0x3  }
0x9a: {  	_ =	strace s4  }
0x9b: {  	s4 =	sld [smem:$0x3FFD];
	_ =	sdelay $0x3  }
0x9c: {  	_ =	strace s4  }
0x9d: {  	_ =	strace $0x8FFFFFFF  }
0x9e: {  	s18 =	sld [smem:$0x3FDB];
	_ =	sdelay $0x1  }
0x9f: {  	s19 =	simm.s32 $_scs_section_size  }
0xa0: {  	s6 =	simm.s32 $_size__tile_overlayer_lowered;
	s7 =	simm.s32 $_tile_overlayer_lowered  }
0xa1: {  	s22 =	simm.s32 $0x1BFF;
	s21 =	sshll.u32 s7, $0x1;
	s4 =	sadd.s32 s19, s18  }
0xa2: {  	s8 =	simm.s32 $0x0;
	s20 =	sshll.u32 s6, $0x1;
	s6 =	sadd.s32 s21, s4  }
0xa3: {  	[timem:s8], [sflag:s22] =	dma.local [hbm:s6], s20  }
0xa4: {  	_ =	swait.ge [sflag:s22], s20  }
0xa5: {  	s5 =	ssub.s32 $0x0, s20;
	[sflag:s22] =	ssyncset.done $0x0  }
0xa6: {  	[sflag:s22] =	ssyncadd.s32 s5;
	_ =	sdelay $0x1  }
0xa7: {  	s23 =	simm.s32 $0x1B8B  }
0xa8: {  	_ =	swait.ge [sflag:s23], $0x1  }
0xa9: {  	[sflag:s23] =	ssyncset.done $0x0  }
0xaa: {  	s25 =	simm.s32 $0x1B8E;
	s24 =	sld [smem:$0x3FFE];
	[sflag:s23] =	ssyncadd.s32 $0xFFFFFFFF  }
0xab: {  	s26 =	simm.s32 $execute0_lowered;
	[smem:$0x3FD2] =	sst s25  }
0xac: {  	s6 =	sshll.u32 s26, $0x1;
	_ =	strace $0x80000046;
	[dreg:$0x1] =	wrdreg $0xFFFFFFFF  }
0xad: {  	s28 =	simm.s32 $_size_execute0_lowered;
	s4 =	sadd.s32 s4, s6;
	[dreg:$0x0] =	wrdreg $0x0  }
0xae: {  	s6 =	sshll.u32 s28, $0x1;
	[dreg:$0x2] =	wrdreg s4  }
0xaf: {  	[dreg:$0x3] =	wrdreg s6  }
0xb0: {  	[dreg:$0x4] =	wrdreg $0xC0  }
0xb1: {  	_ =	task [dreg:s8], $0x5FFFF  }
0xb2: {  	[dreg:$0x1] =	wrdreg $0xFFFFFFFF  }
0xb3: {  	[dreg:$0x0] =	wrdreg $0x60  }
0xb4: {  	[dreg:$0x2] =	wrdreg s15  }
0xb5: {  	[dreg:$0x3] =	wrdreg s24  }
0xb6: {  	[dreg:$0x4] =	wrdreg s16  }
0xb7: {  	[dreg:$0x5] =	wrdreg $0xA  }
0xb8: {  	_ =	task.clear_ibuf [dreg:s8], $0x6FFFF;
	_ =	strace $0x90000046  }
0xb9: {  	s29 =	simm.s32 $0xA;
	_ =	strace $0x80000048  }
0xba: {  	_ =	swait.ge [sflag:s29], $0x1  }
0xbb: {  	[sflag:s29] =	ssyncadd.s32 $0xFFFFFFFF  }
0xbc: {  	_ =	strace $0x90000048  }
0xbd: {  	_ =	sfence  }
0xbe: {  	s30 =	sld [smem:$0x0];
	_ =	sdelay $0x2  }
0xbf: {  	s31 =	sshll.u32 s1, $0xD;
	s1 =	sshrl.u32 s1, $0x2  }
0xc0: {  	s3 =	sand.u32 $0x4000, s31;
	s1 =	sadd.s32 s1, s30  }
0xc1: {  	s0 =	sor.u32 s3, s0;
	s1 =	sshll.u32 s1, $0x11  }
0xc2: {  	s0 =	sor.u32 s1, s0  }
0xc3: {  	s0 =	sadd.s32 $0x8F2B, s0  }
0xc4: {  	[sflag:s0] =	ssyncadd.remote.s32 $0x1  }
0xc5: {  	_ =	sfence.sel $0xFFFF  }
0xc6: {  	[dreg:$0x0] =	wrdreg $0xFFFFFFFF;
	(pc) =	sbr.abs _section_cstart, $3  }
0xc7: {  	[dreg:$0x1] =	wrdreg $0xFFFFFFFF  }
0xc8: {  	_ =	task.clear_ibuf [dreg:s8], $0x2FFFF;
	_ =	strace $0x9FFFFFFF  }
0xc9: {  	(tm) =	ssettm $0x7FFFFFFF  }
tec
execute0_lowered:
.L_overlay_start_1:
0x0: {  	(tag) =	ssettag $0x1  }
0x1: {  	s1 =	rddreg [dreg:$0x0]  }
0x2: {  	s4 =	rddreg [dreg:$0x1]  }
0x3: {  	s6 =	rddreg [dreg:$0x2]  }
0x4: {  	s0 =	rddreg [dreg:$0x3];
	s3 =	simm.s32 $0x0;
	s2 =	stileid.u32  }
0x5: {  	s5 =	srdreg.scid;
	s12 =	simm.s32 $0x8800;
	s13 =	simm.s32 $0xC800  }
0x6: {  	s14 =	simm.s32 $0x10800;
	s15 =	simm.s32 $0x1;
	s16 =	simm.s32 $0x2  }
0x7: {  	s17 =	simm.s32 $0x3;
	s18 =	simm.s32 $0x4;
	s19 =	simm.s32 $0x400  }
0x8: {  	s20 =	simm.s32 $0x0;
	[smem:$0x7FF] =	sst s3;
	s7 =	sshll.u32 s2, $0x8  }
0x9: {  	s8 =	sand.u32 $0x1, s5;
	s28 =	sshll.u32 s2, $0x1;
	s31 =	sshll.u32 s2, $0x10  }
0xa: {  	_ =	strace $0x80000047;
	s7 =	sand.u32 $0xC00, s7;
	s9 =	ssub.s32 $0x2, s8  }
0xb: {  	s5 =	sor.u32 s8, s28;
	s8 =	sshll.u32 s8, $0xF;
	s7 =	sadd.s32 s7, s4  }
0xc: {  	s10 =	sshrl.u32 s9, $0x1;
	s11 =	sshll.u32 s5, $0x4;
	s5 =	sshll.u32 s5, $0x8  }
0xd: {  	s9 =	ssub.s32 s9, s10;
	s29 =	sand.u32 $0x70, s11;
	s4 =	sadd.s32 s4, s5  }
0xe: {  	s10 =	simm.s32 $0x800;
	s11 =	simm.s32 $0x4800;
	s30 =	sadd.s32 s29, s7  }
0xf: {  	s7 =	sadd.s32 s31, s6;
	s6 =	smax.u32 s9, $0x1;
	s9 =	simm.s32 $0x80  }
0x10: {  	v0 =	vimm.f32 $0.0e+00;
	v1 =	vimm.f32 $1.000000000e+00;
	s5 =	sadd.s32 $0x2000, s30;
	s7 =	sadd.s32 s8, s7;
	s8 =	simm.s32 $0x5  }
.LBB2_1:
0x11: {  	[tilespmem:s3], [sflag:$0x5] =	stream.linear.gather [hbm4b:s4+s3], $0x800, $0x38;
	[tilespmem:$0x10C00] =	vst v63  }
0x12: {  	_ =	swait.ge [sflag:s8], $0x800  }
0x13: {  	[sflag:s8] =	ssyncset.done $0x0  }
0x14: {  	s21 =	simm.s32 $0x0;
	[sflag:s8] =	ssyncadd.s32 $0xFFFFF800  }
.LBB2_2:
0x15: {  	p0 =	sne.s32 s21, $0xFC0  }
.Ltmp0:
0x16: {  	_ = 	snop;
	(pc) =	sbr.rel @p0 .LBB2_2-.Ltmp0, $3  }
0x17: {  	_ =	sdelay $0x1  }
0x18: {  	s22 =	sshra.s32 s21, $0x2  }
0x19: {  	s21 =	sadd.s32 $0x40, s21;
	[tilespmem:s22+$0x10800] =	vst v0  }
0x1a: {  	s21 =	simm.s32 $0x0;
	s22 =	smov.u32 s7  }
.LBB2_4:
0x1b: {  	s23 =	sshra.s32 s21, $0x2  }
0x1c: {  	[tilespmem:s10], [sflag:$0x1] =	stream.indirect.gather [hbm4b:s1+s9], $0x80, s23, s9, $0xb8;
	[tilespmem:$0x10C00] =	vst v63  }
0x1d: {  	s24 =	sadd.s32 $0x80, s23  }
0x1e: {  	[tilespmem:s11], [sflag:$0x2] =	stream.indirect.gather [hbm4b:s1+s9], $0x80, s24, s9, $0xb8;
	[tilespmem:$0x10C00] =	vst v63  }
0x1f: {  	s26 =	sadd.s32 $0x100, s23  }
0x20: {  	[tilespmem:s12], [sflag:$0x3] =	stream.indirect.gather [hbm4b:s1+s9], $0x80, s26, s9, $0xb8;
	[tilespmem:$0x10C00] =	vst v63  }
0x21: {  	s28 =	sadd.s32 $0x180, s23  }
0x22: {  	[tilespmem:s13], [sflag:$0x4] =	stream.indirect.gather [hbm4b:s1+s9], $0x80, s28, s9, $0xb8;
	[tilespmem:$0x10C00] =	vst v63  }
0x23: {  	v2 =	vld [tilespmem:s23+$0x0];
	_ =	sdelay $0x7  }
0x24: {  	[tilespmem:v2+s14+$0x0] =	vst.idx.add.f32.msk $0xffff, v1  }
0x25: {  	v2 =	vld [tilespmem:s23+$0x10];
	_ =	sdelay $0x7  }
0x26: {  	[tilespmem:v2+s14+$0x0] =	vst.idx.add.f32.msk $0xffff, v1  }
0x27: {  	v2 =	vld [tilespmem:s23+$0x20];
	_ =	sdelay $0x7  }
0x28: {  	[tilespmem:v2+s14+$0x0] =	vst.idx.add.f32.msk $0xffff, v1  }
0x29: {  	v2 =	vld [tilespmem:s23+$0x30];
	_ =	sdelay $0x7  }
0x2a: {  	[tilespmem:v2+s14+$0x0] =	vst.idx.add.f32.msk $0xffff, v1  }
0x2b: {  	v2 =	vld [tilespmem:s23+$0x40];
	_ =	sdelay $0x7  }
0x2c: {  	[tilespmem:v2+s14+$0x0] =	vst.idx.add.f32.msk $0xffff, v1  }
0x2d: {  	v2 =	vld [tilespmem:s23+$0x50];
	_ =	sdelay $0x7  }
0x2e: {  	[tilespmem:v2+s14+$0x0] =	vst.idx.add.f32.msk $0xffff, v1  }
0x2f: {  	v2 =	vld [tilespmem:s23+$0x60];
	_ =	sdelay $0x7  }
0x30: {  	[tilespmem:v2+s14+$0x0] =	vst.idx.add.f32.msk $0xffff, v1  }
0x31: {  	v2 =	vld [tilespmem:s23+$0x70];
	_ =	sdelay $0x7  }
0x32: {  	[tilespmem:v2+s14+$0x0] =	vst.idx.add.f32.msk $0xffff, v1  }
0x33: {  	v2 =	vld [tilespmem:s23+$0x80];
	_ =	sdelay $0x7  }
0x34: {  	[tilespmem:v2+s14+$0x0] =	vst.idx.add.f32.msk $0xffff, v1  }
0x35: {  	v2 =	vld [tilespmem:s23+$0x90];
	_ =	sdelay $0x7  }
0x36: {  	[tilespmem:v2+s14+$0x0] =	vst.idx.add.f32.msk $0xffff, v1  }
0x37: {  	v2 =	vld [tilespmem:s23+$0xA0];
	_ =	sdelay $0x7  }
0x38: {  	[tilespmem:v2+s14+$0x0] =	vst.idx.add.f32.msk $0xffff, v1  }
0x39: {  	v2 =	vld [tilespmem:s23+$0xB0];
	_ =	sdelay $0x7  }
0x3a: {  	[tilespmem:v2+s14+$0x0] =	vst.idx.add.f32.msk $0xffff, v1  }
0x3b: {  	v2 =	vld [tilespmem:s23+$0xC0];
	_ =	sdelay $0x7  }
0x3c: {  	[tilespmem:v2+s14+$0x0] =	vst.idx.add.f32.msk $0xffff, v1  }
0x3d: {  	v2 =	vld [tilespmem:s23+$0xD0];
	_ =	sdelay $0x7  }
0x3e: {  	[tilespmem:v2+s14+$0x0] =	vst.idx.add.f32.msk $0xffff, v1  }
0x3f: {  	v2 =	vld [tilespmem:s23+$0xE0];
	_ =	sdelay $0x7  }
0x40: {  	[tilespmem:v2+s14+$0x0] =	vst.idx.add.f32.msk $0xffff, v1  }
0x41: {  	v2 =	vld [tilespmem:s23+$0xF0];
	_ =	sdelay $0x7  }
0x42: {  	[tilespmem:v2+s14+$0x0] =	vst.idx.add.f32.msk $0xffff, v1  }
0x43: {  	v2 =	vld [tilespmem:s23+$0x100];
	_ =	sdelay $0x7  }
0x44: {  	[tilespmem:v2+s14+$0x0] =	vst.idx.add.f32.msk $0xffff, v1  }
0x45: {  	v2 =	vld [tilespmem:s23+$0x110];
	_ =	sdelay $0x7  }
0x46: {  	[tilespmem:v2+s14+$0x0] =	vst.idx.add.f32.msk $0xffff, v1  }
0x47: {  	v2 =	vld [tilespmem:s23+$0x120];
	_ =	sdelay $0x7  }
0x48: {  	[tilespmem:v2+s14+$0x0] =	vst.idx.add.f32.msk $0xffff, v1  }
0x49: {  	v2 =	vld [tilespmem:s23+$0x130];
	_ =	sdelay $0x7  }
0x4a: {  	[tilespmem:v2+s14+$0x0] =	vst.idx.add.f32.msk $0xffff, v1  }
0x4b: {  	v2 =	vld [tilespmem:s23+$0x140];
	_ =	sdelay $0x7  }
0x4c: {  	[tilespmem:v2+s14+$0x0] =	vst.idx.add.f32.msk $0xffff, v1  }
0x4d: {  	v2 =	vld [tilespmem:s23+$0x150];
	_ =	sdelay $0x7  }
0x4e: {  	[tilespmem:v2+s14+$0x0] =	vst.idx.add.f32.msk $0xffff, v1  }
0x4f: {  	v2 =	vld [tilespmem:s23+$0x160];
	_ =	sdelay $0x7  }
0x50: {  	[tilespmem:v2+s14+$0x0] =	vst.idx.add.f32.msk $0xffff, v1  }
0x51: {  	v2 =	vld [tilespmem:s23+$0x170];
	_ =	sdelay $0x7  }
0x52: {  	[tilespmem:v2+s14+$0x0] =	vst.idx.add.f32.msk $0xffff, v1  }
0x53: {  	v2 =	vld [tilespmem:s23+$0x180];
	_ =	sdelay $0x7  }
0x54: {  	[tilespmem:v2+s14+$0x0] =	vst.idx.add.f32.msk $0xffff, v1  }
0x55: {  	v2 =	vld [tilespmem:s23+$0x190];
	_ =	sdelay $0x7  }
0x56: {  	[tilespmem:v2+s14+$0x0] =	vst.idx.add.f32.msk $0xffff, v1  }
0x57: {  	v2 =	vld [tilespmem:s23+$0x1A0];
	_ =	sdelay $0x7  }
0x58: {  	[tilespmem:v2+s14+$0x0] =	vst.idx.add.f32.msk $0xffff, v1  }
0x59: {  	v2 =	vld [tilespmem:s23+$0x1B0];
	_ =	sdelay $0x7  }
0x5a: {  	[tilespmem:v2+s14+$0x0] =	vst.idx.add.f32.msk $0xffff, v1  }
0x5b: {  	v2 =	vld [tilespmem:s23+$0x1C0];
	_ =	sdelay $0x7  }
0x5c: {  	[tilespmem:v2+s14+$0x0] =	vst.idx.add.f32.msk $0xffff, v1  }
0x5d: {  	v2 =	vld [tilespmem:s23+$0x1D0];
	_ =	sdelay $0x7  }
0x5e: {  	[tilespmem:v2+s14+$0x0] =	vst.idx.add.f32.msk $0xffff, v1  }
0x5f: {  	v2 =	vld [tilespmem:s23+$0x1E0];
	_ =	sdelay $0x7  }
0x60: {  	[tilespmem:v2+s14+$0x0] =	vst.idx.add.f32.msk $0xffff, v1  }
0x61: {  	v2 =	vld [tilespmem:s23+$0x1F0];
	_ =	sdelay $0x7  }
0x62: {  	[tilespmem:v2+s14+$0x0] =	vst.idx.add.f32.msk $0xffff, v1  }
0x63: {  	_ =	swait.ge [sflag:s15], $0x4000  }
0x64: {  	[sflag:s15] =	ssyncset.done $0x0  }
0x65: {  	[sflag:s15] =	ssyncadd.s32 $0xFFFFC000  }
0x66: {  	[hbm4b:s22+s3] =	stream.linear.scatter [tilespmem:s10], [sflag:$0x5], $0x4000, $0x38;
	[tilespmem:$0x10C00] =	vst v63  }
0x67: {  	_ =	swait.ge [sflag:s8], $0x4000  }
0x68: {  	[sflag:s8] =	ssyncset.done $0x0  }
0x69: {  	[sflag:s8] =	ssyncadd.s32 $0xFFFFC000  }
0x6a: {  	_ =	swait.ge [sflag:s16], $0x4000  }
0x6b: {  	[sflag:s16] =	ssyncset.done $0x0  }
0x6c: {  	s29 =	sadd.s32 $0x800, s22;
	[sflag:s16] =	ssyncadd.s32 $0xFFFFC000  }
0x6d: {  	[hbm4b:s29+s3] =	stream.linear.scatter [tilespmem:s11], [sflag:$0x5], $0x4000, $0x38;
	[tilespmem:$0x10C00] =	vst v63  }
0x6e: {  	_ =	swait.ge [sflag:s8], $0x4000  }
0x6f: {  	[sflag:s8] =	ssyncset.done $0x0  }
0x70: {  	[sflag:s8] =	ssyncadd.s32 $0xFFFFC000  }
0x71: {  	_ =	swait.ge [sflag:s17], $0x4000  }
0x72: {  	[sflag:s17] =	ssyncset.done $0x0  }
0x73: {  	s30 =	sadd.s32 $0x1000, s22;
	[sflag:s17] =	ssyncadd.s32 $0xFFFFC000  }
0x74: {  	[hbm4b:s30+s3] =	stream.linear.scatter [tilespmem:s12], [sflag:$0x5], $0x4000, $0x38;
	[tilespmem:$0x10C00] =	vst v63  }
0x75: {  	_ =	swait.ge [sflag:s8], $0x4000  }
0x76: {  	[sflag:s8] =	ssyncset.done $0x0  }
0x77: {  	[sflag:s8] =	ssyncadd.s32 $0xFFFFC000  }
0x78: {  	_ =	swait.ge [sflag:s18], $0x4000  }
0x79: {  	p0 =	sne.s32 s21, $0x1800;
	[sflag:s18] =	ssyncset.done $0x0  }
.Ltmp1:
0x7a: {  	s31 =	sadd.s32 $0x1800, s22;
	[sflag:s18] =	ssyncadd.s32 $0xFFFFC000;
	(pc) =	sbr.rel @p0 .LBB2_4-.Ltmp1, $4  }
0x7b: {  	[hbm4b:s31+s3] =	stream.linear.scatter [tilespmem:s13], [sflag:$0x5], $0x4000, $0x38;
	[tilespmem:$0x10C00] =	vst v63  }
0x7c: {  	_ =	swait.ge [sflag:s8], $0x4000  }
0x7d: {  	[sflag:s8] =	ssyncset.done $0x0  }
0x7e: {  	s21 =	sadd.s32 $0x800, s21;
	s22 =	sadd.s32 $0x2000, s22;
	[sflag:s8] =	ssyncadd.s32 $0xFFFFC000  }
0x7f: {  	s20 =	sadd.s32 $0x1, s20  }
0x80: {  	p0 =	sne.s32 s20, s6  }
.Ltmp2:
0x81: {  	_ = 	snop;
	(pc) =	sbr.rel @p0 .LBB2_1-.Ltmp2, $4  }
0x82: {  	[hbm4b:s5+s9] =	stream.strided.scatter [tilespmem:s14], [sflag:$0x5], $0x400, s19, s9, $0x38;
	[tilespmem:$0x10C00] =	vst v63  }
0x83: {  	_ =	swait.ge [sflag:s8], $0x400  }
0x84: {  	[sflag:s8] =	ssyncset.done $0x0  }
0x85: {  	[sflag:s8] =	ssyncadd.s32 $0xFFFFFC00  }
0x86: {  	_ =	sfence.sel $0x180000  }
0x87: {  	[bflag:$0x0] =	sbarrier.arrive $0xFFFF  }
0x88: {  	p0 =	sne.s32 s2, $0x0;
	_ =	strace $0x90000047  }
0x89: {  	s0 =	sadd.s32 @!p0 $0x100000, s0;
	[bflag:$0x2] =	sbarrier.arrive $0xFFFF  }
0x8a: {  	[sflag:s0] =	ssyncadd.tile.s32 @!p0 $0x1;
	_ =	shalt  }
.Lfunc_end2:
_tile_overlayer_lowered:
.L_overlay_start_2:
0x8b: {  	(tag) =	ssettag $0x2  }
0x8c: {  	s0 =	rddreg [dreg:$0x0];
	s2 =	stileid.u32  }
0x8d: {  	s1 =	rddreg [dreg:$0x1];
	p0 =	sne.s32 s2, $0x0  }
0x8e: {  	s3 =	rddreg [dreg:$0x2];
	[bflag:$0x3] =	sbarrier.arrive $0xFFFF;
	s2 =	simm.s32 @!p0 $0x1C05  }
0x8f: {  	[timem:s3], [sflag:s2] =	dma.local @!p0 [hbm:s0], s1  }
0x90: {  	s0 =	simm.s32 @!p0 $0x5  }
0x91: {  	_ =	swait.ge @!p0 [sflag:s0], s1  }
0x92: {  	s1 =	ssub.s32 @!p0 $0x0, s1;
	[sflag:s0] =	ssyncset.done @!p0 $0x0  }
0x93: {  	[sflag:s0] =	ssyncadd.s32 @!p0 s1  }
0x94: {  	[bflag:$0x3] =	sbarrier.arrive $0xFFFF  }
0x95: {  	_ =	shalt  }

</sc_bundles>
